<compile_context>
chip_gen: v7x
topology: tpu7x:2x2x1
jax: 0.10.2.dev20260603
libtpu: 0.0.44.dev20260713+nightly
codegen_flags: <defaults>
</compile_context>

<pallas_src>
import functools

import jax
import jax.numpy as jnp
from jax import lax
from jax.experimental import pallas as pl
from jax.experimental.pallas import tpu as pltpu
from jax.experimental.pallas import tpu_sc as plsc

RES = 128
NUM_FRAMES = 8
NUM_BATCHES = 2
N = 2097152
GRID_N = NUM_BATCHES * NUM_FRAMES * RES * RES * RES

NW = 32
PER_W = N // NW
CHUNK = 8192
GROUPS = CHUNK // 16
NCHUNKS = PER_W // CHUNK

def _tobool_body(src_ref, dst_ref):
    dst_ref[...] = src_ref[...] != 0


_to_bool = pl.pallas_call(
    _tobool_body,
    out_shape=jax.ShapeDtypeStruct((N,), jnp.bool_),
    grid=(4,),
    in_specs=[pl.BlockSpec((N // 4,), lambda i: (i,))],
    out_specs=pl.BlockSpec((N // 4,), lambda i: (i,)),
)

_mesh = plsc.VectorSubcoreMesh(core_axis_name="c", subcore_axis_name="s",
                               num_cores=2, num_subcores=16)


@functools.partial(
    pl.kernel,
    out_type=jax.ShapeDtypeStruct((N,), jnp.int32),
    mesh=_mesh,
    compiler_params=pltpu.CompilerParams(needs_layout_passes=False),
    scratch_types=[
        pltpu.VMEM((CHUNK,), jnp.float32),
        pltpu.VMEM((CHUNK,), jnp.float32),
        pltpu.VMEM((CHUNK,), jnp.float32),
        pltpu.VMEM((CHUNK,), jnp.int32),
        pltpu.VMEM((CHUNK,), jnp.float32),
        pltpu.VMEM((CHUNK,), jnp.int32),
        pltpu.VMEM((CHUNK,), jnp.int32),
        pltpu.VMEM((CHUNK,), jnp.int32),
        pltpu.VMEM((CHUNK,), jnp.int32),
        pltpu.VMEM((16,), jnp.float32),
        pltpu.SemaphoreType.DMA,
        pltpu.SemaphoreType.DMA,
    ],
)
def _occ_query(x_hbm, y_hbm, z_hbm, bidx_hbm, ts_hbm, gridw_hbm, kf_hbm,
               out_hbm, x_v, y_v, z_v, bidx_v, ts_v, widx_a, widx_b,
               words_a, words_b, kf_v, sem_a, sem_b):
    wid = lax.axis_index("s") * 2 + lax.axis_index("c")
    pltpu.sync_copy(kf_hbm, kf_v)

    zeros = jnp.zeros((16,), jnp.int32)
    kfvec = kf_v[...]
    kfs = [kfvec[j] for j in range(NUM_FRAMES)]

    def compute_idx(c, widx_v):
        base = wid * PER_W + c * CHUNK
        pltpu.sync_copy(x_hbm.at[pl.ds(base, CHUNK)], x_v)
        pltpu.sync_copy(y_hbm.at[pl.ds(base, CHUNK)], y_v)
        pltpu.sync_copy(z_hbm.at[pl.ds(base, CHUNK)], z_v)
        pltpu.sync_copy(bidx_hbm.at[pl.ds(base, CHUNK)], bidx_v)
        pltpu.sync_copy(ts_hbm.at[pl.ds(base, CHUNK)], ts_v)

        def group_body(g, carry2):
            o = pl.multiple_of(g * 16, 16)
            x = x_v[pl.ds(o, 16)]
            y = y_v[pl.ds(o, 16)]
            z = z_v[pl.ds(o, 16)]
            t = ts_v[pl.ds(o, 16)]
            bi = bidx_v[pl.ds(o, 16)]

            def cell(v):
                q = ((v / 2.0 + 0.5) * 128.0).astype(jnp.int32)
                return jnp.clip(q, 0, RES - 1)

            gx, gy, gz = cell(x), cell(y), cell(z)

            cnt = zeros
            for j in range(NUM_FRAMES):
                cnt = cnt + jnp.where(kfs[j] < t, 1, 0)
            idx = jnp.clip(cnt, 1, NUM_FRAMES - 1)
            left = jnp.full((16,), kfs[NUM_FRAMES - 2])
            right = jnp.full((16,), kfs[NUM_FRAMES - 1])
            for j in range(NUM_FRAMES - 2, 0, -1):
                m = idx == j
                left = jnp.where(m, kfs[j - 1], left)
                right = jnp.where(m, kfs[j], right)
            fidx = jnp.where(jnp.abs(t - left) <= jnp.abs(right - t),
                             idx - 1, idx)

            flat = ((bi * NUM_FRAMES + fidx) * (RES * RES * RES)
                    + gx * (RES * RES) + gy * RES + gz)
            widx_v[pl.ds(o, 16)] = flat
            return carry2

        lax.fori_loop(0, GROUPS, group_body, 0)

    def write_out(c, words_v):
        base = wid * PER_W + c * CHUNK
        pltpu.sync_copy(words_v, out_hbm.at[pl.ds(base, CHUNK)])

    def gather(widx_v, words_v, sem):
        return pltpu.async_copy(gridw_hbm.at[widx_v], words_v, sem)

    compute_idx(0, widx_a)

    def chunk_pair(i, carry):
        ca = i * 2
        ha = gather(widx_a, words_a, sem_a)
        compute_idx(ca + 1, widx_b)
        hb = gather(widx_b, words_b, sem_b)
        ha.wait()
        write_out(ca, words_a)

        @pl.when(ca + 2 < NCHUNKS)
        def _():
            compute_idx(ca + 2, widx_a)

        hb.wait()
        write_out(ca + 1, words_b)
        return carry

    lax.fori_loop(0, NCHUNKS // 2, chunk_pair, 0)


def kernel(pts, bidx, ts, flat_occ_grid, ts_keyframes):
    gw = flat_occ_grid.reshape(-1).astype(jnp.int32)
    kf16 = jnp.pad(ts_keyframes, (0, 16 - NUM_FRAMES))
    occ_w = _occ_query(pts[:, 0], pts[:, 1], pts[:, 2], bidx, ts, gw, kf16)
    return _to_bool(occ_w)

# --- scband reference (transcript-rebuilt; emitter-appended) ---
"""Pipeline reference for scband-occ-grid-accel-batched-dynamic-base-21242908246600 (READ-ONLY COPY).

The authoritative reference and input builder live on the scoring server;
editing this copy changes nothing except your own understanding.
"""

import jax, jax.numpy as jnp
import numpy as np

RES = 128
NUM_FRAMES = 8
NUM_BATCHES = 2
N = 2097152


def setup_inputs(seed: int = 0) -> dict:
    key = jax.random.key(seed)
    k1, k2, k3, k4 = jax.random.split(key, 4)
    pts = jax.random.normal(k1, (N, 3), dtype=jnp.float32)  # roughly in [-1,1], clamped later
    bidx = jax.random.randint(k2, (N,), 0, NUM_BATCHES).astype(jnp.int32)
    ts = jax.random.uniform(k3, (N,), dtype=jnp.float32)
    # module state set via set_condition(): flat occupancy grid [B*F, R, R, R] (bool)
    flat_occ_grid = jax.random.uniform(k4, (NUM_BATCHES * NUM_FRAMES, RES, RES, RES), dtype=jnp.float32) > 0.5
    ts_keyframes = jnp.linspace(0.0, 1.0, NUM_FRAMES).astype(jnp.float32)
    return {"pts": pts, "bidx": bidx, "ts": ts, "flat_occ_grid": flat_occ_grid, "ts_keyframes": ts_keyframes}


def _consecutive_nearest1d(keyframes, ts):
    # nearest index into a sorted 1D array (torch_consecutive_nearest1d)
    idx = jnp.searchsorted(keyframes, ts)
    idx = jnp.clip(idx, 1, keyframes.shape[0] - 1)
    left = keyframes[idx - 1]
    right = keyframes[idx]
    fidx = jnp.where(jnp.abs(ts - left) <= jnp.abs(right - ts), idx - 1, idx)
    return fidx.astype(jnp.int32)


def reference(pts, bidx, ts, flat_occ_grid, ts_keyframes):
    # cur_batch__query_occupancy
    res = jnp.array([RES, RES, RES], dtype=jnp.int32)
    gidx = ((pts / 2.0 + 0.5) * res.astype(pts.dtype)).astype(jnp.int32)
    gidx = jnp.clip(gidx, jnp.zeros((3,), jnp.int32), res - 1)
    fidx = _consecutive_nearest1d(ts_keyframes, ts)
    flat_bidx = bidx * NUM_FRAMES + fidx
    occ = flat_occ_grid[flat_bidx, gidx[:, 0], gidx[:, 1], gidx[:, 2]]
    return occ

if __name__ == "__main__":
    import jax
    _d = setup_inputs()
    print(jax.jit(kernel)(*tuple(_d.values())))

</pallas_src>

<mosaic_0001>
#map = affine_map<(d0, d1) -> (0)>
module attributes {stable_mosaic.version = 14 : i64} {
  func.func @_occ_query(%arg0: i32, %arg1: i32, %arg2: memref<2097152xf32, #tpu.memory_space<hbm>>, %arg3: memref<2097152xf32, #tpu.memory_space<hbm>>, %arg4: memref<2097152xf32, #tpu.memory_space<hbm>>, %arg5: memref<2097152xi32, #tpu.memory_space<hbm>>, %arg6: memref<2097152xf32, #tpu.memory_space<hbm>>, %arg7: memref<33554432xi32, #tpu.memory_space<hbm>>, %arg8: memref<16xf32, #tpu.memory_space<hbm>>, %arg9: memref<2097152xi32, #tpu.memory_space<hbm>>, %arg10: memref<8192xf32, #tpu.memory_space<vmem>>, %arg11: memref<8192xf32, #tpu.memory_space<vmem>>, %arg12: memref<8192xf32, #tpu.memory_space<vmem>>, %arg13: memref<8192xi32, #tpu.memory_space<vmem>>, %arg14: memref<8192xf32, #tpu.memory_space<vmem>>, %arg15: memref<8192xi32, #tpu.memory_space<vmem>>, %arg16: memref<8192xi32, #tpu.memory_space<vmem>>, %arg17: memref<8192xi32, #tpu.memory_space<vmem>>, %arg18: memref<8192xi32, #tpu.memory_space<vmem>>, %arg19: memref<16xf32, #tpu.memory_space<vmem>>, %arg20: memref<!tpu.dma_semaphore, #tpu.memory_space<semaphore_mem>>, %arg21: memref<!tpu.dma_semaphore, #tpu.memory_space<semaphore_mem>>) attributes {dimension_semantics = [#tpu.dimension_semantics<core_parallel>, #tpu.dimension_semantics<subcore_parallel>], iteration_bounds = array<i64: 2, 16>, scalar_prefetch = 0 : i64, scratch_operands = 12 : i64, tpu.core_type = #tpu.core_type<sc_vector_subcore>, window_params = [{transform_indices = #map}, {transform_indices = #map}, {transform_indices = #map}, {transform_indices = #map}, {transform_indices = #map}, {transform_indices = #map}, {transform_indices = #map}, {transform_indices = #map}]} {
    %mul3A = arith.constant 2 : i32
    %mul3A_0 = arith.muli %arg1, %mul3A : i32
    %add3A = arith.addi %mul3A_0, %arg0 : i32
    "tpu.region"() ({
      %run_scoped3A = tpu.sem_alloc : memref<!tpu.dma_semaphore, #tpu.memory_space<semaphore_mem>>
      tpu.enqueue_dma source(%arg8 : memref<16xf32, #tpu.memory_space<hbm>>) target(%arg19 : memref<16xf32, #tpu.memory_space<vmem>>) target_semaphore(%run_scoped3A : memref<!tpu.dma_semaphore, #tpu.memory_space<semaphore_mem>>)
      tpu.wait_dma2 semaphore(%run_scoped3A : memref<!tpu.dma_semaphore, #tpu.memory_space<semaphore_mem>>) src(%arg8 : memref<16xf32, #tpu.memory_space<hbm>>) dst(%arg19 : memref<16xf32, #tpu.memory_space<vmem>>)
      tpu.yield
    }) : () -> ()
    %broadcast_in_dim3A = arith.constant 0 : i32
    %broadcast_in_dim3A_1 = vector.broadcast %broadcast_in_dim3A : i32 to vector<16xi32>
    %get3A = arith.constant 0 : index
    %get3A_2 = tpu.vector_load %arg19[%get3A] {strides = array<i32>} : memref<16xf32, #tpu.memory_space<vmem>>, vector<16xf32>,
    %slice3A = vector.extract_strided_slice %get3A_2 {offsets = [0], sizes = [1], strides = [1]} : vector<16xf32> to vector<1xf32>
    %squeeze3A = vector.extract %slice3A[0] : f32 from vector<1xf32>
    %slice3A_3 = vector.extract_strided_slice %get3A_2 {offsets = [1], sizes = [1], strides = [1]} : vector<16xf32> to vector<1xf32>
    %squeeze3A_4 = vector.extract %slice3A_3[0] : f32 from vector<1xf32>
    %slice3A_5 = vector.extract_strided_slice %get3A_2 {offsets = [2], sizes = [1], strides = [1]} : vector<16xf32> to vector<1xf32>
    %squeeze3A_6 = vector.extract %slice3A_5[0] : f32 from vector<1xf32>
    %slice3A_7 = vector.extract_strided_slice %get3A_2 {offsets = [3], sizes = [1], strides = [1]} : vector<16xf32> to vector<1xf32>
    %squeeze3A_8 = vector.extract %slice3A_7[0] : f32 from vector<1xf32>
    %slice3A_9 = vector.extract_strided_slice %get3A_2 {offsets = [4], sizes = [1], strides = [1]} : vector<16xf32> to vector<1xf32>
    %squeeze3A_10 = vector.extract %slice3A_9[0] : f32 from vector<1xf32>
    %slice3A_11 = vector.extract_strided_slice %get3A_2 {offsets = [5], sizes = [1], strides = [1]} : vector<16xf32> to vector<1xf32>
    %squeeze3A_12 = vector.extract %slice3A_11[0] : f32 from vector<1xf32>
    %slice3A_13 = vector.extract_strided_slice %get3A_2 {offsets = [6], sizes = [1], strides = [1]} : vector<16xf32> to vector<1xf32>
    %squeeze3A_14 = vector.extract %slice3A_13[0] : f32 from vector<1xf32>
    %slice3A_15 = vector.extract_strided_slice %get3A_2 {offsets = [7], sizes = [1], strides = [1]} : vector<16xf32> to vector<1xf32>
    %squeeze3A_16 = vector.extract %slice3A_15[0] : f32 from vector<1xf32>
    %mul3A_17 = arith.constant 65536 : i32
    %mul3A_18 = arith.muli %add3A, %mul3A_17 : i32
    %add3A_19 = arith.constant 0 : i32
    %add3A_20 = arith.addi %mul3A_18, %add3A_19 : i32
    "tpu.region"() ({
      %run_scoped3A = tpu.sem_alloc : memref<!tpu.dma_semaphore, #tpu.memory_space<semaphore_mem>>
      %dma_start3A = tpu.memref_slice %arg2[%add3A_20] : memref<2097152xf32, #tpu.memory_space<hbm>> -> memref<8192xf32, #tpu.memory_space<hbm>>
      %dma_start3A_32 = tpu.memref_slice %arg2[%add3A_20] : memref<2097152xf32, #tpu.memory_space<hbm>> -> memref<8192xf32, #tpu.memory_space<hbm>>
      tpu.enqueue_dma source(%dma_start3A_32 : memref<8192xf32, #tpu.memory_space<hbm>>) target(%arg10 : memref<8192xf32, #tpu.memory_space<vmem>>) target_semaphore(%run_scoped3A : memref<!tpu.dma_semaphore, #tpu.memory_space<semaphore_mem>>)
      %dma_wait3A = tpu.memref_slice %arg2[%add3A_20] : memref<2097152xf32, #tpu.memory_space<hbm>> -> memref<8192xf32, #tpu.memory_space<hbm>>
      %dma_wait3A_33 = tpu.memref_slice %arg2[%add3A_20] : memref<2097152xf32, #tpu.memory_space<hbm>> -> memref<8192xf32, #tpu.memory_space<hbm>>
      tpu.wait_dma2 semaphore(%run_scoped3A : memref<!tpu.dma_semaphore, #tpu.memory_space<semaphore_mem>>) src(%dma_wait3A_33 : memref<8192xf32, #tpu.memory_space<hbm>>) dst(%arg10 : memref<8192xf32, #tpu.memory_space<vmem>>)
      tpu.yield
    }) : () -> ()
    "tpu.region"() ({
      %run_scoped3A = tpu.sem_alloc : memref<!tpu.dma_semaphore, #tpu.memory_space<semaphore_mem>>
      %dma_start3A = tpu.memref_slice %arg3[%add3A_20] : memref<2097152xf32, #tpu.memory_space<hbm>> -> memref<8192xf32, #tpu.memory_space<hbm>>
      %dma_start3A_32 = tpu.memref_slice %arg3[%add3A_20] : memref<2097152xf32, #tpu.memory_space<hbm>> -> memref<8192xf32, #tpu.memory_space<hbm>>
      tpu.enqueue_dma source(%dma_start3A_32 : memref<8192xf32, #tpu.memory_space<hbm>>) target(%arg11 : memref<8192xf32, #tpu.memory_space<vmem>>) target_semaphore(%run_scoped3A : memref<!tpu.dma_semaphore, #tpu.memory_space<semaphore_mem>>)
      %dma_wait3A = tpu.memref_slice %arg3[%add3A_20] : memref<2097152xf32, #tpu.memory_space<hbm>> -> memref<8192xf32, #tpu.memory_space<hbm>>
      %dma_wait3A_33 = tpu.memref_slice %arg3[%add3A_20] : memref<2097152xf32, #tpu.memory_space<hbm>> -> memref<8192xf32, #tpu.memory_space<hbm>>
      tpu.wait_dma2 semaphore(%run_scoped3A : memref<!tpu.dma_semaphore, #tpu.memory_space<semaphore_mem>>) src(%dma_wait3A_33 : memref<8192xf32, #tpu.memory_space<hbm>>) dst(%arg11 : memref<8192xf32, #tpu.memory_space<vmem>>)
      tpu.yield
    }) : () -> ()
    "tpu.region"() ({
      %run_scoped3A = tpu.sem_alloc : memref<!tpu.dma_semaphore, #tpu.memory_space<semaphore_mem>>
      %dma_start3A = tpu.memref_slice %arg4[%add3A_20] : memref<2097152xf32, #tpu.memory_space<hbm>> -> memref<8192xf32, #tpu.memory_space<hbm>>
      %dma_start3A_32 = tpu.memref_slice %arg4[%add3A_20] : memref<2097152xf32, #tpu.memory_space<hbm>> -> memref<8192xf32, #tpu.memory_space<hbm>>
      tpu.enqueue_dma source(%dma_start3A_32 : memref<8192xf32, #tpu.memory_space<hbm>>) target(%arg12 : memref<8192xf32, #tpu.memory_space<vmem>>) target_semaphore(%run_scoped3A : memref<!tpu.dma_semaphore, #tpu.memory_space<semaphore_mem>>)
      %dma_wait3A = tpu.memref_slice %arg4[%add3A_20] : memref<2097152xf32, #tpu.memory_space<hbm>> -> memref<8192xf32, #tpu.memory_space<hbm>>
      %dma_wait3A_33 = tpu.memref_slice %arg4[%add3A_20] : memref<2097152xf32, #tpu.memory_space<hbm>> -> memref<8192xf32, #tpu.memory_space<hbm>>
      tpu.wait_dma2 semaphore(%run_scoped3A : memref<!tpu.dma_semaphore, #tpu.memory_space<semaphore_mem>>) src(%dma_wait3A_33 : memref<8192xf32, #tpu.memory_space<hbm>>) dst(%arg12 : memref<8192xf32, #tpu.memory_space<vmem>>)
      tpu.yield
    }) : () -> ()
    "tpu.region"() ({
      %run_scoped3A = tpu.sem_alloc : memref<!tpu.dma_semaphore, #tpu.memory_space<semaphore_mem>>
      %dma_start3A = tpu.memref_slice %arg5[%add3A_20] : memref<2097152xi32, #tpu.memory_space<hbm>> -> memref<8192xi32, #tpu.memory_space<hbm>>
      %dma_start3A_32 = tpu.memref_slice %arg5[%add3A_20] : memref<2097152xi32, #tpu.memory_space<hbm>> -> memref<8192xi32, #tpu.memory_space<hbm>>
      tpu.enqueue_dma source(%dma_start3A_32 : memref<8192xi32, #tpu.memory_space<hbm>>) target(%arg13 : memref<8192xi32, #tpu.memory_space<vmem>>) target_semaphore(%run_scoped3A : memref<!tpu.dma_semaphore, #tpu.memory_space<semaphore_mem>>)
      %dma_wait3A = tpu.memref_slice %arg5[%add3A_20] : memref<2097152xi32, #tpu.memory_space<hbm>> -> memref<8192xi32, #tpu.memory_space<hbm>>
      %dma_wait3A_33 = tpu.memref_slice %arg5[%add3A_20] : memref<2097152xi32, #tpu.memory_space<hbm>> -> memref<8192xi32, #tpu.memory_space<hbm>>
      tpu.wait_dma2 semaphore(%run_scoped3A : memref<!tpu.dma_semaphore, #tpu.memory_space<semaphore_mem>>) src(%dma_wait3A_33 : memref<8192xi32, #tpu.memory_space<hbm>>) dst(%arg13 : memref<8192xi32, #tpu.memory_space<vmem>>)
      tpu.yield
    }) : () -> ()
    "tpu.region"() ({
      %run_scoped3A = tpu.sem_alloc : memref<!tpu.dma_semaphore, #tpu.memory_space<semaphore_mem>>
      %dma_start3A = tpu.memref_slice %arg6[%add3A_20] : memref<2097152xf32, #tpu.memory_space<hbm>> -> memref<8192xf32, #tpu.memory_space<hbm>>
      %dma_start3A_32 = tpu.memref_slice %arg6[%add3A_20] : memref<2097152xf32, #tpu.memory_space<hbm>> -> memref<8192xf32, #tpu.memory_space<hbm>>
      tpu.enqueue_dma source(%dma_start3A_32 : memref<8192xf32, #tpu.memory_space<hbm>>) target(%arg14 : memref<8192xf32, #tpu.memory_space<vmem>>) target_semaphore(%run_scoped3A : memref<!tpu.dma_semaphore, #tpu.memory_space<semaphore_mem>>)
      %dma_wait3A = tpu.memref_slice %arg6[%add3A_20] : memref<2097152xf32, #tpu.memory_space<hbm>> -> memref<8192xf32, #tpu.memory_space<hbm>>
      %dma_wait3A_33 = tpu.memref_slice %arg6[%add3A_20] : memref<2097152xf32, #tpu.memory_space<hbm>> -> memref<8192xf32, #tpu.memory_space<hbm>>
      tpu.wait_dma2 semaphore(%run_scoped3A : memref<!tpu.dma_semaphore, #tpu.memory_space<semaphore_mem>>) src(%dma_wait3A_33 : memref<8192xf32, #tpu.memory_space<hbm>>) dst(%arg14 : memref<8192xf32, #tpu.memory_space<vmem>>)
      tpu.yield
    }) : () -> ()
    %scan3A = arith.constant 0 : i32
    %scan3A_21 = arith.constant 0 : i32
    %scan3A_22 = arith.constant 512 : i32
    %scan3A_23 = arith.addi %scan3A_21, %scan3A_22 : i32
    %scan3A_24 = arith.constant 1 : i32
    scf.for %scan3A_32 = %scan3A_21 to %scan3A_23 step %scan3A_24  : i32 {
      %mul3A_33 = arith.constant 16 : i32
      %mul3A_34 = arith.muli %scan3A_32, %mul3A_33 : i32
      %multiple_of3A = tpu.assume_multiple %mul3A_34, 16 : i32
      %get3A_35 = arith.index_cast %multiple_of3A : i32 to index
      %get3A_36 = tpu.vector_load %arg10[%get3A_35] {strides = array<i32>} : memref<8192xf32, #tpu.memory_space<vmem>>, vector<16xf32>,
      %get3A_37 = arith.index_cast %multiple_of3A : i32 to index
      %get3A_38 = tpu.vector_load %arg11[%get3A_37] {strides = array<i32>} : memref<8192xf32, #tpu.memory_space<vmem>>, vector<16xf32>,
      %get3A_39 = arith.index_cast %multiple_of3A : i32 to index
      %get3A_40 = tpu.vector_load %arg12[%get3A_39] {strides = array<i32>} : memref<8192xf32, #tpu.memory_space<vmem>>, vector<16xf32>,
      %get3A_41 = arith.index_cast %multiple_of3A : i32 to index
      %get3A_42 = tpu.vector_load %arg14[%get3A_41] {strides = array<i32>} : memref<8192xf32, #tpu.memory_space<vmem>>, vector<16xf32>,
      %get3A_43 = arith.index_cast %multiple_of3A : i32 to index
      %get3A_44 = tpu.vector_load %arg13[%get3A_43] {strides = array<i32>} : memref<8192xi32, #tpu.memory_space<vmem>>, vector<16xi32>,
      %div3A = arith.constant 2.000000e+00 : f32
      %div3A_45 = vector.broadcast %div3A : f32 to vector<16xf32>
      %div3A_46 = arith.divf %get3A_36, %div3A_45 : vector<16xf32>
      %add3A_47 = arith.constant 5.000000e-01 : f32
      %add3A_48 = vector.broadcast %add3A_47 : f32 to vector<16xf32>
      %add3A_49 = arith.addf %div3A_46, %add3A_48 : vector<16xf32>
      %mul3A_50 = arith.constant 1.280000e+02 : f32
      %mul3A_51 = vector.broadcast %mul3A_50 : f32 to vector<16xf32>
      %mul3A_52 = arith.mulf %add3A_49, %mul3A_51 : vector<16xf32>
      %convert_element_type3A = arith.fptosi %mul3A_52 : vector<16xf32> to vector<16xi32>
      %jit3A = arith.constant 0 : i32
      %jit3A_53 = arith.constant 127 : i32
      %max3A = vector.broadcast %jit3A : i32 to vector<16xi32>
      %max3A_54 = arith.maxsi %max3A, %convert_element_type3A : vector<16xi32>
      %min3A = vector.broadcast %jit3A_53 : i32 to vector<16xi32>
      %min3A_55 = arith.minsi %min3A, %max3A_54 : vector<16xi32>
      %div3A_56 = arith.constant 2.000000e+00 : f32
      %div3A_57 = vector.broadcast %div3A_56 : f32 to vector<16xf32>
      %div3A_58 = arith.divf %get3A_38, %div3A_57 : vector<16xf32>
      %add3A_59 = arith.constant 5.000000e-01 : f32
      %add3A_60 = vector.broadcast %add3A_59 : f32 to vector<16xf32>
      %add3A_61 = arith.addf %div3A_58, %add3A_60 : vector<16xf32>
      %mul3A_62 = arith.constant 1.280000e+02 : f32
      %mul3A_63 = vector.broadcast %mul3A_62 : f32 to vector<16xf32>
      %mul3A_64 = arith.mulf %add3A_61, %mul3A_63 : vector<16xf32>
      %convert_element_type3A_65 = arith.fptosi %mul3A_64 : vector<16xf32> to vector<16xi32>
      %jit3A_66 = arith.constant 0 : i32
      %jit3A_67 = arith.constant 127 : i32
      %max3A_68 = vector.broadcast %jit3A_66 : i32 to vector<16xi32>
      %max3A_69 = arith.maxsi %max3A_68, %convert_element_type3A_65 : vector<16xi32>
      %min3A_70 = vector.broadcast %jit3A_67 : i32 to vector<16xi32>
      %min3A_71 = arith.minsi %min3A_70, %max3A_69 : vector<16xi32>
      %div3A_72 = arith.constant 2.000000e+00 : f32
      %div3A_73 = vector.broadcast %div3A_72 : f32 to vector<16xf32>
      %div3A_74 = arith.divf %get3A_40, %div3A_73 : vector<16xf32>
      %add3A_75 = arith.constant 5.000000e-01 : f32
      %add3A_76 = vector.broadcast %add3A_75 : f32 to vector<16xf32>
      %add3A_77 = arith.addf %div3A_74, %add3A_76 : vector<16xf32>
      %mul3A_78 = arith.constant 1.280000e+02 : f32
      %mul3A_79 = vector.broadcast %mul3A_78 : f32 to vector<16xf32>
      %mul3A_80 = arith.mulf %add3A_77, %mul3A_79 : vector<16xf32>
      %convert_element_type3A_81 = arith.fptosi %mul3A_80 : vector<16xf32> to vector<16xi32>
      %jit3A_82 = arith.constant 0 : i32
      %jit3A_83 = arith.constant 127 : i32
      %max3A_84 = vector.broadcast %jit3A_82 : i32 to vector<16xi32>
      %max3A_85 = arith.maxsi %max3A_84, %convert_element_type3A_81 : vector<16xi32>
      %min3A_86 = vector.broadcast %jit3A_83 : i32 to vector<16xi32>
      %min3A_87 = arith.minsi %min3A_86, %max3A_85 : vector<16xi32>
      %lt3A = vector.broadcast %squeeze3A : f32 to vector<16xf32>
      %lt3A_88 = arith.cmpf olt, %lt3A, %get3A_42 : vector<16xf32>
      %jit3A_89 = arith.constant 1 : i32
      %jit3A_90 = arith.constant 0 : i32
      %broadcast_in_dim3A_91 = vector.broadcast %jit3A_89 : i32 to vector<16xi32>
      %broadcast_in_dim3A_92 = vector.broadcast %jit3A_90 : i32 to vector<16xi32>
      %select_n3A = arith.select %lt3A_88, %broadcast_in_dim3A_91, %broadcast_in_dim3A_92 : vector<16xi1>, vector<16xi32>
      %add3A_93 = arith.addi %broadcast_in_dim3A_1, %select_n3A : vector<16xi32>
      %lt3A_94 = vector.broadcast %squeeze3A_4 : f32 to vector<16xf32>
      %lt3A_95 = arith.cmpf olt, %lt3A_94, %get3A_42 : vector<16xf32>
      %jit3A_96 = arith.constant 1 : i32
      %jit3A_97 = arith.constant 0 : i32
      %broadcast_in_dim3A_98 = vector.broadcast %jit3A_96 : i32 to vector<16xi32>
      %broadcast_in_dim3A_99 = vector.broadcast %jit3A_97 : i32 to vector<16xi32>
      %select_n3A_100 = arith.select %lt3A_95, %broadcast_in_dim3A_98, %broadcast_in_dim3A_99 : vector<16xi1>, vector<16xi32>
      %add3A_101 = arith.addi %add3A_93, %select_n3A_100 : vector<16xi32>
      %lt3A_102 = vector.broadcast %squeeze3A_6 : f32 to vector<16xf32>
      %lt3A_103 = arith.cmpf olt, %lt3A_102, %get3A_42 : vector<16xf32>
      %jit3A_104 = arith.constant 1 : i32
      %jit3A_105 = arith.constant 0 : i32
      %broadcast_in_dim3A_106 = vector.broadcast %jit3A_104 : i32 to vector<16xi32>
      %broadcast_in_dim3A_107 = vector.broadcast %jit3A_105 : i32 to vector<16xi32>
      %select_n3A_108 = arith.select %lt3A_103, %broadcast_in_dim3A_106, %broadcast_in_dim3A_107 : vector<16xi1>, vector<16xi32>
      %add3A_109 = arith.addi %add3A_101, %select_n3A_108 : vector<16xi32>
      %lt3A_110 = vector.broadcast %squeeze3A_8 : f32 to vector<16xf32>
      %lt3A_111 = arith.cmpf olt, %lt3A_110, %get3A_42 : vector<16xf32>
      %jit3A_112 = arith.constant 1 : i32
      %jit3A_113 = arith.constant 0 : i32
      %broadcast_in_dim3A_114 = vector.broadcast %jit3A_112 : i32 to vector<16xi32>
      %broadcast_in_dim3A_115 = vector.broadcast %jit3A_113 : i32 to vector<16xi32>
      %select_n3A_116 = arith.select %lt3A_111, %broadcast_in_dim3A_114, %broadcast_in_dim3A_115 : vector<16xi1>, vector<16xi32>
      %add3A_117 = arith.addi %add3A_109, %select_n3A_116 : vector<16xi32>
      %lt3A_118 = vector.broadcast %squeeze3A_10 : f32 to vector<16xf32>
      %lt3A_119 = arith.cmpf olt, %lt3A_118, %get3A_42 : vector<16xf32>
      %jit3A_120 = arith.constant 1 : i32
      %jit3A_121 = arith.constant 0 : i32
      %broadcast_in_dim3A_122 = vector.broadcast %jit3A_120 : i32 to vector<16xi32>
      %broadcast_in_dim3A_123 = vector.broadcast %jit3A_121 : i32 to vector<16xi32>
      %select_n3A_124 = arith.select %lt3A_119, %broadcast_in_dim3A_122, %broadcast_in_dim3A_123 : vector<16xi1>, vector<16xi32>
      %add3A_125 = arith.addi %add3A_117, %select_n3A_124 : vector<16xi32>
      %lt3A_126 = vector.broadcast %squeeze3A_12 : f32 to vector<16xf32>
      %lt3A_127 = arith.cmpf olt, %lt3A_126, %get3A_42 : vector<16xf32>
      %jit3A_128 = arith.constant 1 : i32
      %jit3A_129 = arith.constant 0 : i32
      %broadcast_in_dim3A_130 = vector.broadcast %jit3A_128 : i32 to vector<16xi32>
      %broadcast_in_dim3A_131 = vector.broadcast %jit3A_129 : i32 to vector<16xi32>
      %select_n3A_132 = arith.select %lt3A_127, %broadcast_in_dim3A_130, %broadcast_in_dim3A_131 : vector<16xi1>, vector<16xi32>
      %add3A_133 = arith.addi %add3A_125, %select_n3A_132 : vector<16xi32>
      %lt3A_134 = vector.broadcast %squeeze3A_14 : f32 to vector<16xf32>
      %lt3A_135 = arith.cmpf olt, %lt3A_134, %get3A_42 : vector<16xf32>
      %jit3A_136 = arith.constant 1 : i32
      %jit3A_137 = arith.constant 0 : i32
      %broadcast_in_dim3A_138 = vector.broadcast %jit3A_136 : i32 to vector<16xi32>
      %broadcast_in_dim3A_139 = vector.broadcast %jit3A_137 : i32 to vector<16xi32>
      %select_n3A_140 = arith.select %lt3A_135, %broadcast_in_dim3A_138, %broadcast_in_dim3A_139 : vector<16xi1>, vector<16xi32>
      %add3A_141 = arith.addi %add3A_133, %select_n3A_140 : vector<16xi32>
      %lt3A_142 = vector.broadcast %squeeze3A_16 : f32 to vector<16xf32>
      %lt3A_143 = arith.cmpf olt, %lt3A_142, %get3A_42 : vector<16xf32>
      %jit3A_144 = arith.constant 1 : i32
      %jit3A_145 = arith.constant 0 : i32
      %broadcast_in_dim3A_146 = vector.broadcast %jit3A_144 : i32 to vector<16xi32>
      %broadcast_in_dim3A_147 = vector.broadcast %jit3A_145 : i32 to vector<16xi32>
      %select_n3A_148 = arith.select %lt3A_143, %broadcast_in_dim3A_146, %broadcast_in_dim3A_147 : vector<16xi1>, vector<16xi32>
      %add3A_149 = arith.addi %add3A_141, %select_n3A_148 : vector<16xi32>
      %jit3A_150 = arith.constant 1 : i32
      %jit3A_151 = arith.constant 7 : i32
      %max3A_152 = vector.broadcast %jit3A_150 : i32 to vector<16xi32>
      %max3A_153 = arith.maxsi %max3A_152, %add3A_149 : vector<16xi32>
      %min3A_154 = vector.broadcast %jit3A_151 : i32 to vector<16xi32>
      %min3A_155 = arith.minsi %min3A_154, %max3A_153 : vector<16xi32>
      %broadcast_in_dim3A_156 = vector.broadcast %squeeze3A_14 : f32 to vector<16xf32>
      %broadcast_in_dim3A_157 = vector.broadcast %squeeze3A_16 : f32 to vector<16xf32>
      %eq3A = arith.constant 6 : i32
      %eq3A_158 = vector.broadcast %eq3A : i32 to vector<16xi32>
      %eq3A_159 = arith.cmpi eq, %min3A_155, %eq3A_158 : vector<16xi32>
      %broadcast_in_dim3A_160 = vector.broadcast %squeeze3A_12 : f32 to vector<16xf32>
      %select_n3A_161 = arith.select %eq3A_159, %broadcast_in_dim3A_160, %broadcast_in_dim3A_156 : vector<16xi1>, vector<16xf32>
      %broadcast_in_dim3A_162 = vector.broadcast %squeeze3A_14 : f32 to vector<16xf32>
      %select_n3A_163 = arith.select %eq3A_159, %broadcast_in_dim3A_162, %broadcast_in_dim3A_157 : vector<16xi1>, vector<16xf32>
      %eq3A_164 = arith.constant 5 : i32
      %eq3A_165 = vector.broadcast %eq3A_164 : i32 to vector<16xi32>
      %eq3A_166 = arith.cmpi eq, %min3A_155, %eq3A_165 : vector<16xi32>
      %broadcast_in_dim3A_167 = vector.broadcast %squeeze3A_10 : f32 to vector<16xf32>
      %select_n3A_168 = arith.select %eq3A_166, %broadcast_in_dim3A_167, %select_n3A_161 : vector<16xi1>, vector<16xf32>
      %broadcast_in_dim3A_169 = vector.broadcast %squeeze3A_12 : f32 to vector<16xf32>
      %select_n3A_170 = arith.select %eq3A_166, %broadcast_in_dim3A_169, %select_n3A_163 : vector<16xi1>, vector<16xf32>
      %eq3A_171 = arith.constant 4 : i32
      %eq3A_172 = vector.broadcast %eq3A_171 : i32 to vector<16xi32>
      %eq3A_173 = arith.cmpi eq, %min3A_155, %eq3A_172 : vector<16xi32>
      %broadcast_in_dim3A_174 = vector.broadcast %squeeze3A_8 : f32 to vector<16xf32>
      %select_n3A_175 = arith.select %eq3A_173, %broadcast_in_dim3A_174, %select_n3A_168 : vector<16xi1>, vector<16xf32>
      %broadcast_in_dim3A_176 = vector.broadcast %squeeze3A_10 : f32 to vector<16xf32>
      %select_n3A_177 = arith.select %eq3A_173, %broadcast_in_dim3A_176, %select_n3A_170 : vector<16xi1>, vector<16xf32>
      %eq3A_178 = arith.constant 3 : i32
      %eq3A_179 = vector.broadcast %eq3A_178 : i32 to vector<16xi32>
      %eq3A_180 = arith.cmpi eq, %min3A_155, %eq3A_179 : vector<16xi32>
      %broadcast_in_dim3A_181 = vector.broadcast %squeeze3A_6 : f32 to vector<16xf32>
      %select_n3A_182 = arith.select %eq3A_180, %broadcast_in_dim3A_181, %select_n3A_175 : vector<16xi1>, vector<16xf32>
      %broadcast_in_dim3A_183 = vector.broadcast %squeeze3A_8 : f32 to vector<16xf32>
      %select_n3A_184 = arith.select %eq3A_180, %broadcast_in_dim3A_183, %select_n3A_177 : vector<16xi1>, vector<16xf32>
      %eq3A_185 = arith.constant 2 : i32
      %eq3A_186 = vector.broadcast %eq3A_185 : i32 to vector<16xi32>
      %eq3A_187 = arith.cmpi eq, %min3A_155, %eq3A_186 : vector<16xi32>
      %broadcast_in_dim3A_188 = vector.broadcast %squeeze3A_4 : f32 to vector<16xf32>
      %select_n3A_189 = arith.select %eq3A_187, %broadcast_in_dim3A_188, %select_n3A_182 : vector<16xi1>, vector<16xf32>
      %broadcast_in_dim3A_190 = vector.broadcast %squeeze3A_6 : f32 to vector<16xf32>
      %select_n3A_191 = arith.select %eq3A_187, %broadcast_in_dim3A_190, %select_n3A_184 : vector<16xi1>, vector<16xf32>
      %eq3A_192 = arith.constant 1 : i32
      %eq3A_193 = vector.broadcast %eq3A_192 : i32 to vector<16xi32>
      %eq3A_194 = arith.cmpi eq, %min3A_155, %eq3A_193 : vector<16xi32>
      %broadcast_in_dim3A_195 = vector.broadcast %squeeze3A : f32 to vector<16xf32>
      %select_n3A_196 = arith.select %eq3A_194, %broadcast_in_dim3A_195, %select_n3A_189 : vector<16xi1>, vector<16xf32>
      %broadcast_in_dim3A_197 = vector.broadcast %squeeze3A_4 : f32 to vector<16xf32>
      %select_n3A_198 = arith.select %eq3A_194, %broadcast_in_dim3A_197, %select_n3A_191 : vector<16xi1>, vector<16xf32>
      %sub3A = arith.subf %get3A_42, %select_n3A_196 : vector<16xf32>
      %abs3A = math.absf %sub3A : vector<16xf32>
      %sub3A_199 = arith.subf %select_n3A_198, %get3A_42 : vector<16xf32>
      %abs3A_200 = math.absf %sub3A_199 : vector<16xf32>
      %le3A = arith.cmpf ole, %abs3A, %abs3A_200 : vector<16xf32>
      %sub3A_201 = arith.constant 1 : i32
      %sub3A_202 = vector.broadcast %sub3A_201 : i32 to vector<16xi32>
      %sub3A_203 = arith.subi %min3A_155, %sub3A_202 : vector<16xi32>
      %select_n3A_204 = arith.select %le3A, %sub3A_203, %min3A_155 : vector<16xi1>, vector<16xi32>
      %mul3A_205 = arith.constant 8 : i32
      %mul3A_206 = vector.broadcast %mul3A_205 : i32 to vector<16xi32>
      %mul3A_207 = arith.muli %get3A_44, %mul3A_206 : vector<16xi32>
      %add3A_208 = arith.addi %mul3A_207, %select_n3A_204 : vector<16xi32>
      %mul3A_209 = arith.constant 2097152 : i32
      %mul3A_210 = vector.broadcast %mul3A_209 : i32 to vector<16xi32>
      %mul3A_211 = arith.muli %add3A_208, %mul3A_210 : vector<16xi32>
      %mul3A_212 = arith.constant 16384 : i32
      %mul3A_213 = vector.broadcast %mul3A_212 : i32 to vector<16xi32>
      %mul3A_214 = arith.muli %min3A_55, %mul3A_213 : vector<16xi32>
      %add3A_215 = arith.addi %mul3A_211, %mul3A_214 : vector<16xi32>
      %mul3A_216 = arith.constant 128 : i32
      %mul3A_217 = vector.broadcast %mul3A_216 : i32 to vector<16xi32>
      %mul3A_218 = arith.muli %min3A_71, %mul3A_217 : vector<16xi32>
      %add3A_219 = arith.addi %add3A_215, %mul3A_218 : vector<16xi32>
      %add3A_220 = arith.addi %add3A_219, %min3A_87 : vector<16xi32>
      %swap3A = arith.index_cast %multiple_of3A : i32 to index
      %swap3A_221 = tpu.vector_load %arg15[%swap3A] {strides = array<i32>} : memref<8192xi32, #tpu.memory_space<vmem>>, vector<16xi32>,
      tpu.vector_store %arg15[%swap3A], %add3A_220 {strides = array<i32>} : memref<8192xi32, #tpu.memory_space<vmem>>, vector<16xi32>,
    }
    %scan3A_25 = arith.constant 512 : i32
    %scan3A_26 = arith.constant 0 : i32
    %scan3A_27 = arith.constant 0 : i32
    %scan3A_28 = arith.constant 4 : i32
    %scan3A_29 = arith.addi %scan3A_27, %scan3A_28 : i32
    %scan3A_30 = arith.constant 1 : i32
    scf.for %scan3A_32 = %scan3A_27 to %scan3A_29 step %scan3A_30  : i32 {
      %mul3A_33 = arith.constant 2 : i32
      %mul3A_34 = arith.muli %scan3A_32, %mul3A_33 : i32
      %dma_start3A = arith.constant 0 : i32
      %dma_start3A_35 = tpu.memref_slice %arg7[%dma_start3A] : memref<33554432xi32, #tpu.memory_space<hbm>> -> memref<33554432xi32, #tpu.memory_space<hbm>>
      tpu.enqueue_indirect_dma source(%dma_start3A_35 : memref<33554432xi32, #tpu.memory_space<hbm>>) target(%arg17 : memref<8192xi32, #tpu.memory_space<vmem>>) offsets(%arg15 : memref<8192xi32, #tpu.memory_space<vmem>>) semaphore(%arg20 : memref<!tpu.dma_semaphore, #tpu.memory_space<semaphore_mem>>)
      %add3A_36 = arith.constant 1 : i32
      %add3A_37 = arith.addi %mul3A_34, %add3A_36 : i32
      %mul3A_38 = arith.constant 65536 : i32
      %mul3A_39 = arith.muli %add3A, %mul3A_38 : i32
      %mul3A_40 = arith.constant 8192 : i32
      %mul3A_41 = arith.muli %add3A_37, %mul3A_40 : i32
      %add3A_42 = arith.addi %mul3A_39, %mul3A_41 : i32
      "tpu.region"() ({
        %run_scoped3A = tpu.sem_alloc : memref<!tpu.dma_semaphore, #tpu.memory_space<semaphore_mem>>
        %dma_start3A_70 = tpu.memref_slice %arg2[%add3A_42] : memref<2097152xf32, #tpu.memory_space<hbm>> -> memref<8192xf32, #tpu.memory_space<hbm>>
        %dma_start3A_71 = tpu.memref_slice %arg2[%add3A_42] : memref<2097152xf32, #tpu.memory_space<hbm>> -> memref<8192xf32, #tpu.memory_space<hbm>>
        tpu.enqueue_dma source(%dma_start3A_71 : memref<8192xf32, #tpu.memory_space<hbm>>) target(%arg10 : memref<8192xf32, #tpu.memory_space<vmem>>) target_semaphore(%run_scoped3A : memref<!tpu.dma_semaphore, #tpu.memory_space<semaphore_mem>>)
        %dma_wait3A_72 = tpu.memref_slice %arg2[%add3A_42] : memref<2097152xf32, #tpu.memory_space<hbm>> -> memref<8192xf32, #tpu.memory_space<hbm>>
        %dma_wait3A_73 = tpu.memref_slice %arg2[%add3A_42] : memref<2097152xf32, #tpu.memory_space<hbm>> -> memref<8192xf32, #tpu.memory_space<hbm>>
        tpu.wait_dma2 semaphore(%run_scoped3A : memref<!tpu.dma_semaphore, #tpu.memory_space<semaphore_mem>>) src(%dma_wait3A_73 : memref<8192xf32, #tpu.memory_space<hbm>>) dst(%arg10 : memref<8192xf32, #tpu.memory_space<vmem>>)
        tpu.yield
      }) : () -> ()
      "tpu.region"() ({
        %run_scoped3A = tpu.sem_alloc : memref<!tpu.dma_semaphore, #tpu.memory_space<semaphore_mem>>
        %dma_start3A_70 = tpu.memref_slice %arg3[%add3A_42] : memref<2097152xf32, #tpu.memory_space<hbm>> -> memref<8192xf32, #tpu.memory_space<hbm>>
        %dma_start3A_71 = tpu.memref_slice %arg3[%add3A_42] : memref<2097152xf32, #tpu.memory_space<hbm>> -> memref<8192xf32, #tpu.memory_space<hbm>>
        tpu.enqueue_dma source(%dma_start3A_71 : memref<8192xf32, #tpu.memory_space<hbm>>) target(%arg11 : memref<8192xf32, #tpu.memory_space<vmem>>) target_semaphore(%run_scoped3A : memref<!tpu.dma_semaphore, #tpu.memory_space<semaphore_mem>>)
        %dma_wait3A_72 = tpu.memref_slice %arg3[%add3A_42] : memref<2097152xf32, #tpu.memory_space<hbm>> -> memref<8192xf32, #tpu.memory_space<hbm>>
        %dma_wait3A_73 = tpu.memref_slice %arg3[%add3A_42] : memref<2097152xf32, #tpu.memory_space<hbm>> -> memref<8192xf32, #tpu.memory_space<hbm>>
        tpu.wait_dma2 semaphore(%run_scoped3A : memref<!tpu.dma_semaphore, #tpu.memory_space<semaphore_mem>>) src(%dma_wait3A_73 : memref<8192xf32, #tpu.memory_space<hbm>>) dst(%arg11 : memref<8192xf32, #tpu.memory_space<vmem>>)
        tpu.yield
      }) : () -> ()
      "tpu.region"() ({
        %run_scoped3A = tpu.sem_alloc : memref<!tpu.dma_semaphore, #tpu.memory_space<semaphore_mem>>
        %dma_start3A_70 = tpu.memref_slice %arg4[%add3A_42] : memref<2097152xf32, #tpu.memory_space<hbm>> -> memref<8192xf32, #tpu.memory_space<hbm>>
        %dma_start3A_71 = tpu.memref_slice %arg4[%add3A_42] : memref<2097152xf32, #tpu.memory_space<hbm>> -> memref<8192xf32, #tpu.memory_space<hbm>>
        tpu.enqueue_dma source(%dma_start3A_71 : memref<8192xf32, #tpu.memory_space<hbm>>) target(%arg12 : memref<8192xf32, #tpu.memory_space<vmem>>) target_semaphore(%run_scoped3A : memref<!tpu.dma_semaphore, #tpu.memory_space<semaphore_mem>>)
        %dma_wait3A_72 = tpu.memref_slice %arg4[%add3A_42] : memref<2097152xf32, #tpu.memory_space<hbm>> -> memref<8192xf32, #tpu.memory_space<hbm>>
        %dma_wait3A_73 = tpu.memref_slice %arg4[%add3A_42] : memref<2097152xf32, #tpu.memory_space<hbm>> -> memref<8192xf32, #tpu.memory_space<hbm>>
        tpu.wait_dma2 semaphore(%run_scoped3A : memref<!tpu.dma_semaphore, #tpu.memory_space<semaphore_mem>>) src(%dma_wait3A_73 : memref<8192xf32, #tpu.memory_space<hbm>>) dst(%arg12 : memref<8192xf32, #tpu.memory_space<vmem>>)
        tpu.yield
      }) : () -> ()
      "tpu.region"() ({
        %run_scoped3A = tpu.sem_alloc : memref<!tpu.dma_semaphore, #tpu.memory_space<semaphore_mem>>
        %dma_start3A_70 = tpu.memref_slice %arg5[%add3A_42] : memref<2097152xi32, #tpu.memory_space<hbm>> -> memref<8192xi32, #tpu.memory_space<hbm>>
        %dma_start3A_71 = tpu.memref_slice %arg5[%add3A_42] : memref<2097152xi32, #tpu.memory_space<hbm>> -> memref<8192xi32, #tpu.memory_space<hbm>>
        tpu.enqueue_dma source(%dma_start3A_71 : memref<8192xi32, #tpu.memory_space<hbm>>) target(%arg13 : memref<8192xi32, #tpu.memory_space<vmem>>) target_semaphore(%run_scoped3A : memref<!tpu.dma_semaphore, #tpu.memory_space<semaphore_mem>>)
        %dma_wait3A_72 = tpu.memref_slice %arg5[%add3A_42] : memref<2097152xi32, #tpu.memory_space<hbm>> -> memref<8192xi32, #tpu.memory_space<hbm>>
        %dma_wait3A_73 = tpu.memref_slice %arg5[%add3A_42] : memref<2097152xi32, #tpu.memory_space<hbm>> -> memref<8192xi32, #tpu.memory_space<hbm>>
        tpu.wait_dma2 semaphore(%run_scoped3A : memref<!tpu.dma_semaphore, #tpu.memory_space<semaphore_mem>>) src(%dma_wait3A_73 : memref<8192xi32, #tpu.memory_space<hbm>>) dst(%arg13 : memref<8192xi32, #tpu.memory_space<vmem>>)
        tpu.yield
      }) : () -> ()
      "tpu.region"() ({
        %run_scoped3A = tpu.sem_alloc : memref<!tpu.dma_semaphore, #tpu.memory_space<semaphore_mem>>
        %dma_start3A_70 = tpu.memref_slice %arg6[%add3A_42] : memref<2097152xf32, #tpu.memory_space<hbm>> -> memref<8192xf32, #tpu.memory_space<hbm>>
        %dma_start3A_71 = tpu.memref_slice %arg6[%add3A_42] : memref<2097152xf32, #tpu.memory_space<hbm>> -> memref<8192xf32, #tpu.memory_space<hbm>>
        tpu.enqueue_dma source(%dma_start3A_71 : memref<8192xf32, #tpu.memory_space<hbm>>) target(%arg14 : memref<8192xf32, #tpu.memory_space<vmem>>) target_semaphore(%run_scoped3A : memref<!tpu.dma_semaphore, #tpu.memory_space<semaphore_mem>>)
        %dma_wait3A_72 = tpu.memref_slice %arg6[%add3A_42] : memref<2097152xf32, #tpu.memory_space<hbm>> -> memref<8192xf32, #tpu.memory_space<hbm>>
        %dma_wait3A_73 = tpu.memref_slice %arg6[%add3A_42] : memref<2097152xf32, #tpu.memory_space<hbm>> -> memref<8192xf32, #tpu.memory_space<hbm>>
        tpu.wait_dma2 semaphore(%run_scoped3A : memref<!tpu.dma_semaphore, #tpu.memory_space<semaphore_mem>>) src(%dma_wait3A_73 : memref<8192xf32, #tpu.memory_space<hbm>>) dst(%arg14 : memref<8192xf32, #tpu.memory_space<vmem>>)
        tpu.yield
      }) : () -> ()
      %scan3A_43 = arith.constant 0 : i32
      %scan3A_44 = arith.constant 0 : i32
      %scan3A_45 = arith.constant 512 : i32
      %scan3A_46 = arith.addi %scan3A_44, %scan3A_45 : i32
      %scan3A_47 = arith.constant 1 : i32
      scf.for %scan3A_70 = %scan3A_44 to %scan3A_46 step %scan3A_47  : i32 {
        %mul3A_71 = arith.constant 16 : i32
        %mul3A_72 = arith.muli %scan3A_70, %mul3A_71 : i32
        %multiple_of3A = tpu.assume_multiple %mul3A_72, 16 : i32
        %get3A_73 = arith.index_cast %multiple_of3A : i32 to index
        %get3A_74 = tpu.vector_load %arg10[%get3A_73] {strides = array<i32>} : memref<8192xf32, #tpu.memory_space<vmem>>, vector<16xf32>,
        %get3A_75 = arith.index_cast %multiple_of3A : i32 to index
        %get3A_76 = tpu.vector_load %arg11[%get3A_75] {strides = array<i32>} : memref<8192xf32, #tpu.memory_space<vmem>>, vector<16xf32>,
        %get3A_77 = arith.index_cast %multiple_of3A : i32 to index
        %get3A_78 = tpu.vector_load %arg12[%get3A_77] {strides = array<i32>} : memref<8192xf32, #tpu.memory_space<vmem>>, vector<16xf32>,
        %get3A_79 = arith.index_cast %multiple_of3A : i32 to index
        %get3A_80 = tpu.vector_load %arg14[%get3A_79] {strides = array<i32>} : memref<8192xf32, #tpu.memory_space<vmem>>, vector<16xf32>,
        %get3A_81 = arith.index_cast %multiple_of3A : i32 to index
        %get3A_82 = tpu.vector_load %arg13[%get3A_81] {strides = array<i32>} : memref<8192xi32, #tpu.memory_space<vmem>>, vector<16xi32>,
        %div3A = arith.constant 2.000000e+00 : f32
        %div3A_83 = vector.broadcast %div3A : f32 to vector<16xf32>
        %div3A_84 = arith.divf %get3A_74, %div3A_83 : vector<16xf32>
        %add3A_85 = arith.constant 5.000000e-01 : f32
        %add3A_86 = vector.broadcast %add3A_85 : f32 to vector<16xf32>
        %add3A_87 = arith.addf %div3A_84, %add3A_86 : vector<16xf32>
        %mul3A_88 = arith.constant 1.280000e+02 : f32
        %mul3A_89 = vector.broadcast %mul3A_88 : f32 to vector<16xf32>
        %mul3A_90 = arith.mulf %add3A_87, %mul3A_89 : vector<16xf32>
        %convert_element_type3A_91 = arith.fptosi %mul3A_90 : vector<16xf32> to vector<16xi32>
        %jit3A = arith.constant 0 : i32
        %jit3A_92 = arith.constant 127 : i32
        %max3A = vector.broadcast %jit3A : i32 to vector<16xi32>
        %max3A_93 = arith.maxsi %max3A, %convert_element_type3A_91 : vector<16xi32>
        %min3A = vector.broadcast %jit3A_92 : i32 to vector<16xi32>
        %min3A_94 = arith.minsi %min3A, %max3A_93 : vector<16xi32>
        %div3A_95 = arith.constant 2.000000e+00 : f32
        %div3A_96 = vector.broadcast %div3A_95 : f32 to vector<16xf32>
        %div3A_97 = arith.divf %get3A_76, %div3A_96 : vector<16xf32>
        %add3A_98 = arith.constant 5.000000e-01 : f32
        %add3A_99 = vector.broadcast %add3A_98 : f32 to vector<16xf32>
        %add3A_100 = arith.addf %div3A_97, %add3A_99 : vector<16xf32>
        %mul3A_101 = arith.constant 1.280000e+02 : f32
        %mul3A_102 = vector.broadcast %mul3A_101 : f32 to vector<16xf32>
        %mul3A_103 = arith.mulf %add3A_100, %mul3A_102 : vector<16xf32>
        %convert_element_type3A_104 = arith.fptosi %mul3A_103 : vector<16xf32> to vector<16xi32>
        %jit3A_105 = arith.constant 0 : i32
        %jit3A_106 = arith.constant 127 : i32
        %max3A_107 = vector.broadcast %jit3A_105 : i32 to vector<16xi32>
        %max3A_108 = arith.maxsi %max3A_107, %convert_element_type3A_104 : vector<16xi32>
        %min3A_109 = vector.broadcast %jit3A_106 : i32 to vector<16xi32>
        %min3A_110 = arith.minsi %min3A_109, %max3A_108 : vector<16xi32>
        %div3A_111 = arith.constant 2.000000e+00 : f32
        %div3A_112 = vector.broadcast %div3A_111 : f32 to vector<16xf32>
        %div3A_113 = arith.divf %get3A_78, %div3A_112 : vector<16xf32>
        %add3A_114 = arith.constant 5.000000e-01 : f32
        %add3A_115 = vector.broadcast %add3A_114 : f32 to vector<16xf32>
        %add3A_116 = arith.addf %div3A_113, %add3A_115 : vector<16xf32>
        %mul3A_117 = arith.constant 1.280000e+02 : f32
        %mul3A_118 = vector.broadcast %mul3A_117 : f32 to vector<16xf32>
        %mul3A_119 = arith.mulf %add3A_116, %mul3A_118 : vector<16xf32>
        %convert_element_type3A_120 = arith.fptosi %mul3A_119 : vector<16xf32> to vector<16xi32>
        %jit3A_121 = arith.constant 0 : i32
        %jit3A_122 = arith.constant 127 : i32
        %max3A_123 = vector.broadcast %jit3A_121 : i32 to vector<16xi32>
        %max3A_124 = arith.maxsi %max3A_123, %convert_element_type3A_120 : vector<16xi32>
        %min3A_125 = vector.broadcast %jit3A_122 : i32 to vector<16xi32>
        %min3A_126 = arith.minsi %min3A_125, %max3A_124 : vector<16xi32>
        %lt3A_127 = vector.broadcast %squeeze3A : f32 to vector<16xf32>
        %lt3A_128 = arith.cmpf olt, %lt3A_127, %get3A_80 : vector<16xf32>
        %jit3A_129 = arith.constant 1 : i32
        %jit3A_130 = arith.constant 0 : i32
        %broadcast_in_dim3A_131 = vector.broadcast %jit3A_129 : i32 to vector<16xi32>
        %broadcast_in_dim3A_132 = vector.broadcast %jit3A_130 : i32 to vector<16xi32>
        %select_n3A = arith.select %lt3A_128, %broadcast_in_dim3A_131, %broadcast_in_dim3A_132 : vector<16xi1>, vector<16xi32>
        %add3A_133 = arith.addi %broadcast_in_dim3A_1, %select_n3A : vector<16xi32>
        %lt3A_134 = vector.broadcast %squeeze3A_4 : f32 to vector<16xf32>
        %lt3A_135 = arith.cmpf olt, %lt3A_134, %get3A_80 : vector<16xf32>
        %jit3A_136 = arith.constant 1 : i32
        %jit3A_137 = arith.constant 0 : i32
        %broadcast_in_dim3A_138 = vector.broadcast %jit3A_136 : i32 to vector<16xi32>
        %broadcast_in_dim3A_139 = vector.broadcast %jit3A_137 : i32 to vector<16xi32>
        %select_n3A_140 = arith.select %lt3A_135, %broadcast_in_dim3A_138, %broadcast_in_dim3A_139 : vector<16xi1>, vector<16xi32>
        %add3A_141 = arith.addi %add3A_133, %select_n3A_140 : vector<16xi32>
        %lt3A_142 = vector.broadcast %squeeze3A_6 : f32 to vector<16xf32>
        %lt3A_143 = arith.cmpf olt, %lt3A_142, %get3A_80 : vector<16xf32>
        %jit3A_144 = arith.constant 1 : i32
        %jit3A_145 = arith.constant 0 : i32
        %broadcast_in_dim3A_146 = vector.broadcast %jit3A_144 : i32 to vector<16xi32>
        %broadcast_in_dim3A_147 = vector.broadcast %jit3A_145 : i32 to vector<16xi32>
        %select_n3A_148 = arith.select %lt3A_143, %broadcast_in_dim3A_146, %broadcast_in_dim3A_147 : vector<16xi1>, vector<16xi32>
        %add3A_149 = arith.addi %add3A_141, %select_n3A_148 : vector<16xi32>
        %lt3A_150 = vector.broadcast %squeeze3A_8 : f32 to vector<16xf32>
        %lt3A_151 = arith.cmpf olt, %lt3A_150, %get3A_80 : vector<16xf32>
        %jit3A_152 = arith.constant 1 : i32
        %jit3A_153 = arith.constant 0 : i32
        %broadcast_in_dim3A_154 = vector.broadcast %jit3A_152 : i32 to vector<16xi32>
        %broadcast_in_dim3A_155 = vector.broadcast %jit3A_153 : i32 to vector<16xi32>
        %select_n3A_156 = arith.select %lt3A_151, %broadcast_in_dim3A_154, %broadcast_in_dim3A_155 : vector<16xi1>, vector<16xi32>
        %add3A_157 = arith.addi %add3A_149, %select_n3A_156 : vector<16xi32>
        %lt3A_158 = vector.broadcast %squeeze3A_10 : f32 to vector<16xf32>
        %lt3A_159 = arith.cmpf olt, %lt3A_158, %get3A_80 : vector<16xf32>
        %jit3A_160 = arith.constant 1 : i32
        %jit3A_161 = arith.constant 0 : i32
        %broadcast_in_dim3A_162 = vector.broadcast %jit3A_160 : i32 to vector<16xi32>
        %broadcast_in_dim3A_163 = vector.broadcast %jit3A_161 : i32 to vector<16xi32>
        %select_n3A_164 = arith.select %lt3A_159, %broadcast_in_dim3A_162, %broadcast_in_dim3A_163 : vector<16xi1>, vector<16xi32>
        %add3A_165 = arith.addi %add3A_157, %select_n3A_164 : vector<16xi32>
        %lt3A_166 = vector.broadcast %squeeze3A_12 : f32 to vector<16xf32>
        %lt3A_167 = arith.cmpf olt, %lt3A_166, %get3A_80 : vector<16xf32>
        %jit3A_168 = arith.constant 1 : i32
        %jit3A_169 = arith.constant 0 : i32
        %broadcast_in_dim3A_170 = vector.broadcast %jit3A_168 : i32 to vector<16xi32>
        %broadcast_in_dim3A_171 = vector.broadcast %jit3A_169 : i32 to vector<16xi32>
        %select_n3A_172 = arith.select %lt3A_167, %broadcast_in_dim3A_170, %broadcast_in_dim3A_171 : vector<16xi1>, vector<16xi32>
        %add3A_173 = arith.addi %add3A_165, %select_n3A_172 : vector<16xi32>
        %lt3A_174 = vector.broadcast %squeeze3A_14 : f32 to vector<16xf32>
        %lt3A_175 = arith.cmpf olt, %lt3A_174, %get3A_80 : vector<16xf32>
        %jit3A_176 = arith.constant 1 : i32
        %jit3A_177 = arith.constant 0 : i32
        %broadcast_in_dim3A_178 = vector.broadcast %jit3A_176 : i32 to vector<16xi32>
        %broadcast_in_dim3A_179 = vector.broadcast %jit3A_177 : i32 to vector<16xi32>
        %select_n3A_180 = arith.select %lt3A_175, %broadcast_in_dim3A_178, %broadcast_in_dim3A_179 : vector<16xi1>, vector<16xi32>
        %add3A_181 = arith.addi %add3A_173, %select_n3A_180 : vector<16xi32>
        %lt3A_182 = vector.broadcast %squeeze3A_16 : f32 to vector<16xf32>
        %lt3A_183 = arith.cmpf olt, %lt3A_182, %get3A_80 : vector<16xf32>
        %jit3A_184 = arith.constant 1 : i32
        %jit3A_185 = arith.constant 0 : i32
        %broadcast_in_dim3A_186 = vector.broadcast %jit3A_184 : i32 to vector<16xi32>
        %broadcast_in_dim3A_187 = vector.broadcast %jit3A_185 : i32 to vector<16xi32>
        %select_n3A_188 = arith.select %lt3A_183, %broadcast_in_dim3A_186, %broadcast_in_dim3A_187 : vector<16xi1>, vector<16xi32>
        %add3A_189 = arith.addi %add3A_181, %select_n3A_188 : vector<16xi32>
        %jit3A_190 = arith.constant 1 : i32
        %jit3A_191 = arith.constant 7 : i32
        %max3A_192 = vector.broadcast %jit3A_190 : i32 to vector<16xi32>
        %max3A_193 = arith.maxsi %max3A_192, %add3A_189 : vector<16xi32>
        %min3A_194 = vector.broadcast %jit3A_191 : i32 to vector<16xi32>
        %min3A_195 = arith.minsi %min3A_194, %max3A_193 : vector<16xi32>
        %broadcast_in_dim3A_196 = vector.broadcast %squeeze3A_14 : f32 to vector<16xf32>
        %broadcast_in_dim3A_197 = vector.broadcast %squeeze3A_16 : f32 to vector<16xf32>
        %eq3A = arith.constant 6 : i32
        %eq3A_198 = vector.broadcast %eq3A : i32 to vector<16xi32>
        %eq3A_199 = arith.cmpi eq, %min3A_195, %eq3A_198 : vector<16xi32>
        %broadcast_in_dim3A_200 = vector.broadcast %squeeze3A_12 : f32 to vector<16xf32>
        %select_n3A_201 = arith.select %eq3A_199, %broadcast_in_dim3A_200, %broadcast_in_dim3A_196 : vector<16xi1>, vector<16xf32>
        %broadcast_in_dim3A_202 = vector.broadcast %squeeze3A_14 : f32 to vector<16xf32>
        %select_n3A_203 = arith.select %eq3A_199, %broadcast_in_dim3A_202, %broadcast_in_dim3A_197 : vector<16xi1>, vector<16xf32>
        %eq3A_204 = arith.constant 5 : i32
        %eq3A_205 = vector.broadcast %eq3A_204 : i32 to vector<16xi32>
        %eq3A_206 = arith.cmpi eq, %min3A_195, %eq3A_205 : vector<16xi32>
        %broadcast_in_dim3A_207 = vector.broadcast %squeeze3A_10 : f32 to vector<16xf32>
        %select_n3A_208 = arith.select %eq3A_206, %broadcast_in_dim3A_207, %select_n3A_201 : vector<16xi1>, vector<16xf32>
        %broadcast_in_dim3A_209 = vector.broadcast %squeeze3A_12 : f32 to vector<16xf32>
        %select_n3A_210 = arith.select %eq3A_206, %broadcast_in_dim3A_209, %select_n3A_203 : vector<16xi1>, vector<16xf32>
        %eq3A_211 = arith.constant 4 : i32
        %eq3A_212 = vector.broadcast %eq3A_211 : i32 to vector<16xi32>
        %eq3A_213 = arith.cmpi eq, %min3A_195, %eq3A_212 : vector<16xi32>
        %broadcast_in_dim3A_214 = vector.broadcast %squeeze3A_8 : f32 to vector<16xf32>
        %select_n3A_215 = arith.select %eq3A_213, %broadcast_in_dim3A_214, %select_n3A_208 : vector<16xi1>, vector<16xf32>
        %broadcast_in_dim3A_216 = vector.broadcast %squeeze3A_10 : f32 to vector<16xf32>
        %select_n3A_217 = arith.select %eq3A_213, %broadcast_in_dim3A_216, %select_n3A_210 : vector<16xi1>, vector<16xf32>
        %eq3A_218 = arith.constant 3 : i32
        %eq3A_219 = vector.broadcast %eq3A_218 : i32 to vector<16xi32>
        %eq3A_220 = arith.cmpi eq, %min3A_195, %eq3A_219 : vector<16xi32>
        %broadcast_in_dim3A_221 = vector.broadcast %squeeze3A_6 : f32 to vector<16xf32>
        %select_n3A_222 = arith.select %eq3A_220, %broadcast_in_dim3A_221, %select_n3A_215 : vector<16xi1>, vector<16xf32>
        %broadcast_in_dim3A_223 = vector.broadcast %squeeze3A_8 : f32 to vector<16xf32>
        %select_n3A_224 = arith.select %eq3A_220, %broadcast_in_dim3A_223, %select_n3A_217 : vector<16xi1>, vector<16xf32>
        %eq3A_225 = arith.constant 2 : i32
        %eq3A_226 = vector.broadcast %eq3A_225 : i32 to vector<16xi32>
        %eq3A_227 = arith.cmpi eq, %min3A_195, %eq3A_226 : vector<16xi32>
        %broadcast_in_dim3A_228 = vector.broadcast %squeeze3A_4 : f32 to vector<16xf32>
        %select_n3A_229 = arith.select %eq3A_227, %broadcast_in_dim3A_228, %select_n3A_222 : vector<16xi1>, vector<16xf32>
        %broadcast_in_dim3A_230 = vector.broadcast %squeeze3A_6 : f32 to vector<16xf32>
        %select_n3A_231 = arith.select %eq3A_227, %broadcast_in_dim3A_230, %select_n3A_224 : vector<16xi1>, vector<16xf32>
        %eq3A_232 = arith.constant 1 : i32
        %eq3A_233 = vector.broadcast %eq3A_232 : i32 to vector<16xi32>
        %eq3A_234 = arith.cmpi eq, %min3A_195, %eq3A_233 : vector<16xi32>
        %broadcast_in_dim3A_235 = vector.broadcast %squeeze3A : f32 to vector<16xf32>
        %select_n3A_236 = arith.select %eq3A_234, %broadcast_in_dim3A_235, %select_n3A_229 : vector<16xi1>, vector<16xf32>
        %broadcast_in_dim3A_237 = vector.broadcast %squeeze3A_4 : f32 to vector<16xf32>
        %select_n3A_238 = arith.select %eq3A_234, %broadcast_in_dim3A_237, %select_n3A_231 : vector<16xi1>, vector<16xf32>
        %sub3A = arith.subf %get3A_80, %select_n3A_236 : vector<16xf32>
        %abs3A = math.absf %sub3A : vector<16xf32>
        %sub3A_239 = arith.subf %select_n3A_238, %get3A_80 : vector<16xf32>
        %abs3A_240 = math.absf %sub3A_239 : vector<16xf32>
        %le3A = arith.cmpf ole, %abs3A, %abs3A_240 : vector<16xf32>
        %sub3A_241 = arith.constant 1 : i32
        %sub3A_242 = vector.broadcast %sub3A_241 : i32 to vector<16xi32>
        %sub3A_243 = arith.subi %min3A_195, %sub3A_242 : vector<16xi32>
        %select_n3A_244 = arith.select %le3A, %sub3A_243, %min3A_195 : vector<16xi1>, vector<16xi32>
        %mul3A_245 = arith.constant 8 : i32
        %mul3A_246 = vector.broadcast %mul3A_245 : i32 to vector<16xi32>
        %mul3A_247 = arith.muli %get3A_82, %mul3A_246 : vector<16xi32>
        %add3A_248 = arith.addi %mul3A_247, %select_n3A_244 : vector<16xi32>
        %mul3A_249 = arith.constant 2097152 : i32
        %mul3A_250 = vector.broadcast %mul3A_249 : i32 to vector<16xi32>
        %mul3A_251 = arith.muli %add3A_248, %mul3A_250 : vector<16xi32>
        %mul3A_252 = arith.constant 16384 : i32
        %mul3A_253 = vector.broadcast %mul3A_252 : i32 to vector<16xi32>
        %mul3A_254 = arith.muli %min3A_94, %mul3A_253 : vector<16xi32>
        %add3A_255 = arith.addi %mul3A_251, %mul3A_254 : vector<16xi32>
        %mul3A_256 = arith.constant 128 : i32
        %mul3A_257 = vector.broadcast %mul3A_256 : i32 to vector<16xi32>
        %mul3A_258 = arith.muli %min3A_110, %mul3A_257 : vector<16xi32>
        %add3A_259 = arith.addi %add3A_255, %mul3A_258 : vector<16xi32>
        %add3A_260 = arith.addi %add3A_259, %min3A_126 : vector<16xi32>
        %swap3A = arith.index_cast %multiple_of3A : i32 to index
        %swap3A_261 = tpu.vector_load %arg16[%swap3A] {strides = array<i32>} : memref<8192xi32, #tpu.memory_space<vmem>>, vector<16xi32>,
        tpu.vector_store %arg16[%swap3A], %add3A_260 {strides = array<i32>} : memref<8192xi32, #tpu.memory_space<vmem>>, vector<16xi32>,
      }
      %scan3A_48 = arith.constant 512 : i32
      %dma_start3A_49 = arith.constant 0 : i32
      %dma_start3A_50 = tpu.memref_slice %arg7[%dma_start3A_49] : memref<33554432xi32, #tpu.memory_space<hbm>> -> memref<33554432xi32, #tpu.memory_space<hbm>>
      tpu.enqueue_indirect_dma source(%dma_start3A_50 : memref<33554432xi32, #tpu.memory_space<hbm>>) target(%arg18 : memref<8192xi32, #tpu.memory_space<vmem>>) offsets(%arg16 : memref<8192xi32, #tpu.memory_space<vmem>>) semaphore(%arg21 : memref<!tpu.dma_semaphore, #tpu.memory_space<semaphore_mem>>)
      %dma_wait3A = arith.constant 0 : i32
      %dma_wait3A_51 = tpu.memref_slice %arg7[%dma_wait3A] : memref<33554432xi32, #tpu.memory_space<hbm>> -> memref<33554432xi32, #tpu.memory_space<hbm>>
      tpu.wait_indirect_dma semaphore(%arg20 : memref<!tpu.dma_semaphore, #tpu.memory_space<semaphore_mem>>) src(%dma_wait3A_51 : memref<33554432xi32, #tpu.memory_space<hbm>>) dst(%arg17 : memref<8192xi32, #tpu.memory_space<vmem>>)
      %mul3A_52 = arith.constant 65536 : i32
      %mul3A_53 = arith.muli %add3A, %mul3A_52 : i32
      %mul3A_54 = arith.constant 8192 : i32
      %mul3A_55 = arith.muli %mul3A_34, %mul3A_54 : i32
      %add3A_56 = arith.addi %mul3A_53, %mul3A_55 : i32
      "tpu.region"() ({
        %run_scoped3A = tpu.sem_alloc : memref<!tpu.dma_semaphore, #tpu.memory_space<semaphore_mem>>
        %dma_start3A_70 = tpu.memref_slice %arg9[%add3A_56] : memref<2097152xi32, #tpu.memory_space<hbm>> -> memref<8192xi32, #tpu.memory_space<hbm>>
        %dma_start3A_71 = tpu.memref_slice %arg9[%add3A_56] : memref<2097152xi32, #tpu.memory_space<hbm>> -> memref<8192xi32, #tpu.memory_space<hbm>>
        tpu.enqueue_dma source(%arg17 : memref<8192xi32, #tpu.memory_space<vmem>>) target(%dma_start3A_71 : memref<8192xi32, #tpu.memory_space<hbm>>) target_semaphore(%run_scoped3A : memref<!tpu.dma_semaphore, #tpu.memory_space<semaphore_mem>>)
        %dma_wait3A_72 = tpu.memref_slice %arg9[%add3A_56] : memref<2097152xi32, #tpu.memory_space<hbm>> -> memref<8192xi32, #tpu.memory_space<hbm>>
        %dma_wait3A_73 = tpu.memref_slice %arg9[%add3A_56] : memref<2097152xi32, #tpu.memory_space<hbm>> -> memref<8192xi32, #tpu.memory_space<hbm>>
        tpu.wait_dma2 semaphore(%run_scoped3A : memref<!tpu.dma_semaphore, #tpu.memory_space<semaphore_mem>>) src(%arg17 : memref<8192xi32, #tpu.memory_space<vmem>>) dst(%dma_wait3A_73 : memref<8192xi32, #tpu.memory_space<hbm>>)
        tpu.yield
      }) : () -> ()
      %add3A_57 = arith.constant 2 : i32
      %add3A_58 = arith.addi %mul3A_34, %add3A_57 : i32
      %lt3A = arith.constant 8 : i32
      %lt3A_59 = arith.cmpi slt, %add3A_58, %lt3A : i32
      %convert_element_type3A = arith.extui %lt3A_59 : i1 to i32
      %cond3A = arith.constant 0 : i32
      %cond3A_60 = arith.cmpi ne, %convert_element_type3A, %cond3A : i32
      scf.if %cond3A_60 {
        %add3A_70 = arith.constant 2 : i32
        %add3A_71 = arith.addi %mul3A_34, %add3A_70 : i32
        %mul3A_72 = arith.constant 65536 : i32
        %mul3A_73 = arith.muli %add3A, %mul3A_72 : i32
        %mul3A_74 = arith.constant 8192 : i32
        %mul3A_75 = arith.muli %add3A_71, %mul3A_74 : i32
        %add3A_76 = arith.addi %mul3A_73, %mul3A_75 : i32
        "tpu.region"() ({
          %run_scoped3A = tpu.sem_alloc : memref<!tpu.dma_semaphore, #tpu.memory_space<semaphore_mem>>
          %dma_start3A_83 = tpu.memref_slice %arg2[%add3A_76] : memref<2097152xf32, #tpu.memory_space<hbm>> -> memref<8192xf32, #tpu.memory_space<hbm>>
          %dma_start3A_84 = tpu.memref_slice %arg2[%add3A_76] : memref<2097152xf32, #tpu.memory_space<hbm>> -> memref<8192xf32, #tpu.memory_space<hbm>>
          tpu.enqueue_dma source(%dma_start3A_84 : memref<8192xf32, #tpu.memory_space<hbm>>) target(%arg10 : memref<8192xf32, #tpu.memory_space<vmem>>) target_semaphore(%run_scoped3A : memref<!tpu.dma_semaphore, #tpu.memory_space<semaphore_mem>>)
          %dma_wait3A_85 = tpu.memref_slice %arg2[%add3A_76] : memref<2097152xf32, #tpu.memory_space<hbm>> -> memref<8192xf32, #tpu.memory_space<hbm>>
          %dma_wait3A_86 = tpu.memref_slice %arg2[%add3A_76] : memref<2097152xf32, #tpu.memory_space<hbm>> -> memref<8192xf32, #tpu.memory_space<hbm>>
          tpu.wait_dma2 semaphore(%run_scoped3A : memref<!tpu.dma_semaphore, #tpu.memory_space<semaphore_mem>>) src(%dma_wait3A_86 : memref<8192xf32, #tpu.memory_space<hbm>>) dst(%arg10 : memref<8192xf32, #tpu.memory_space<vmem>>)
          tpu.yield
        }) : () -> ()
        "tpu.region"() ({
          %run_scoped3A = tpu.sem_alloc : memref<!tpu.dma_semaphore, #tpu.memory_space<semaphore_mem>>
          %dma_start3A_83 = tpu.memref_slice %arg3[%add3A_76] : memref<2097152xf32, #tpu.memory_space<hbm>> -> memref<8192xf32, #tpu.memory_space<hbm>>
          %dma_start3A_84 = tpu.memref_slice %arg3[%add3A_76] : memref<2097152xf32, #tpu.memory_space<hbm>> -> memref<8192xf32, #tpu.memory_space<hbm>>
          tpu.enqueue_dma source(%dma_start3A_84 : memref<8192xf32, #tpu.memory_space<hbm>>) target(%arg11 : memref<8192xf32, #tpu.memory_space<vmem>>) target_semaphore(%run_scoped3A : memref<!tpu.dma_semaphore, #tpu.memory_space<semaphore_mem>>)
          %dma_wait3A_85 = tpu.memref_slice %arg3[%add3A_76] : memref<2097152xf32, #tpu.memory_space<hbm>> -> memref<8192xf32, #tpu.memory_space<hbm>>
          %dma_wait3A_86 = tpu.memref_slice %arg3[%add3A_76] : memref<2097152xf32, #tpu.memory_space<hbm>> -> memref<8192xf32, #tpu.memory_space<hbm>>
          tpu.wait_dma2 semaphore(%run_scoped3A : memref<!tpu.dma_semaphore, #tpu.memory_space<semaphore_mem>>) src(%dma_wait3A_86 : memref<8192xf32, #tpu.memory_space<hbm>>) dst(%arg11 : memref<8192xf32, #tpu.memory_space<vmem>>)
          tpu.yield
        }) : () -> ()
        "tpu.region"() ({
          %run_scoped3A = tpu.sem_alloc : memref<!tpu.dma_semaphore, #tpu.memory_space<semaphore_mem>>
          %dma_start3A_83 = tpu.memref_slice %arg4[%add3A_76] : memref<2097152xf32, #tpu.memory_space<hbm>> -> memref<8192xf32, #tpu.memory_space<hbm>>
          %dma_start3A_84 = tpu.memref_slice %arg4[%add3A_76] : memref<2097152xf32, #tpu.memory_space<hbm>> -> memref<8192xf32, #tpu.memory_space<hbm>>
          tpu.enqueue_dma source(%dma_start3A_84 : memref<8192xf32, #tpu.memory_space<hbm>>) target(%arg12 : memref<8192xf32, #tpu.memory_space<vmem>>) target_semaphore(%run_scoped3A : memref<!tpu.dma_semaphore, #tpu.memory_space<semaphore_mem>>)
          %dma_wait3A_85 = tpu.memref_slice %arg4[%add3A_76] : memref<2097152xf32, #tpu.memory_space<hbm>> -> memref<8192xf32, #tpu.memory_space<hbm>>
          %dma_wait3A_86 = tpu.memref_slice %arg4[%add3A_76] : memref<2097152xf32, #tpu.memory_space<hbm>> -> memref<8192xf32, #tpu.memory_space<hbm>>
          tpu.wait_dma2 semaphore(%run_scoped3A : memref<!tpu.dma_semaphore, #tpu.memory_space<semaphore_mem>>) src(%dma_wait3A_86 : memref<8192xf32, #tpu.memory_space<hbm>>) dst(%arg12 : memref<8192xf32, #tpu.memory_space<vmem>>)
          tpu.yield
        }) : () -> ()
        "tpu.region"() ({
          %run_scoped3A = tpu.sem_alloc : memref<!tpu.dma_semaphore, #tpu.memory_space<semaphore_mem>>
          %dma_start3A_83 = tpu.memref_slice %arg5[%add3A_76] : memref<2097152xi32, #tpu.memory_space<hbm>> -> memref<8192xi32, #tpu.memory_space<hbm>>
          %dma_start3A_84 = tpu.memref_slice %arg5[%add3A_76] : memref<2097152xi32, #tpu.memory_space<hbm>> -> memref<8192xi32, #tpu.memory_space<hbm>>
          tpu.enqueue_dma source(%dma_start3A_84 : memref<8192xi32, #tpu.memory_space<hbm>>) target(%arg13 : memref<8192xi32, #tpu.memory_space<vmem>>) target_semaphore(%run_scoped3A : memref<!tpu.dma_semaphore, #tpu.memory_space<semaphore_mem>>)
          %dma_wait3A_85 = tpu.memref_slice %arg5[%add3A_76] : memref<2097152xi32, #tpu.memory_space<hbm>> -> memref<8192xi32, #tpu.memory_space<hbm>>
          %dma_wait3A_86 = tpu.memref_slice %arg5[%add3A_76] : memref<2097152xi32, #tpu.memory_space<hbm>> -> memref<8192xi32, #tpu.memory_space<hbm>>
          tpu.wait_dma2 semaphore(%run_scoped3A : memref<!tpu.dma_semaphore, #tpu.memory_space<semaphore_mem>>) src(%dma_wait3A_86 : memref<8192xi32, #tpu.memory_space<hbm>>) dst(%arg13 : memref<8192xi32, #tpu.memory_space<vmem>>)
          tpu.yield
        }) : () -> ()
        "tpu.region"() ({
          %run_scoped3A = tpu.sem_alloc : memref<!tpu.dma_semaphore, #tpu.memory_space<semaphore_mem>>
          %dma_start3A_83 = tpu.memref_slice %arg6[%add3A_76] : memref<2097152xf32, #tpu.memory_space<hbm>> -> memref<8192xf32, #tpu.memory_space<hbm>>
          %dma_start3A_84 = tpu.memref_slice %arg6[%add3A_76] : memref<2097152xf32, #tpu.memory_space<hbm>> -> memref<8192xf32, #tpu.memory_space<hbm>>
          tpu.enqueue_dma source(%dma_start3A_84 : memref<8192xf32, #tpu.memory_space<hbm>>) target(%arg14 : memref<8192xf32, #tpu.memory_space<vmem>>) target_semaphore(%run_scoped3A : memref<!tpu.dma_semaphore, #tpu.memory_space<semaphore_mem>>)
          %dma_wait3A_85 = tpu.memref_slice %arg6[%add3A_76] : memref<2097152xf32, #tpu.memory_space<hbm>> -> memref<8192xf32, #tpu.memory_space<hbm>>
          %dma_wait3A_86 = tpu.memref_slice %arg6[%add3A_76] : memref<2097152xf32, #tpu.memory_space<hbm>> -> memref<8192xf32, #tpu.memory_space<hbm>>
          tpu.wait_dma2 semaphore(%run_scoped3A : memref<!tpu.dma_semaphore, #tpu.memory_space<semaphore_mem>>) src(%dma_wait3A_86 : memref<8192xf32, #tpu.memory_space<hbm>>) dst(%arg14 : memref<8192xf32, #tpu.memory_space<vmem>>)
          tpu.yield
        }) : () -> ()
        %scan3A_77 = arith.constant 0 : i32
        %scan3A_78 = arith.constant 0 : i32
        %scan3A_79 = arith.constant 512 : i32
        %scan3A_80 = arith.addi %scan3A_78, %scan3A_79 : i32
        %scan3A_81 = arith.constant 1 : i32
        scf.for %scan3A_83 = %scan3A_78 to %scan3A_80 step %scan3A_81  : i32 {
          %mul3A_84 = arith.constant 16 : i32
          %mul3A_85 = arith.muli %scan3A_83, %mul3A_84 : i32
          %multiple_of3A = tpu.assume_multiple %mul3A_85, 16 : i32
          %get3A_86 = arith.index_cast %multiple_of3A : i32 to index
          %get3A_87 = tpu.vector_load %arg10[%get3A_86] {strides = array<i32>} : memref<8192xf32, #tpu.memory_space<vmem>>, vector<16xf32>,
          %get3A_88 = arith.index_cast %multiple_of3A : i32 to index
          %get3A_89 = tpu.vector_load %arg11[%get3A_88] {strides = array<i32>} : memref<8192xf32, #tpu.memory_space<vmem>>, vector<16xf32>,
          %get3A_90 = arith.index_cast %multiple_of3A : i32 to index
          %get3A_91 = tpu.vector_load %arg12[%get3A_90] {strides = array<i32>} : memref<8192xf32, #tpu.memory_space<vmem>>, vector<16xf32>,
          %get3A_92 = arith.index_cast %multiple_of3A : i32 to index
          %get3A_93 = tpu.vector_load %arg14[%get3A_92] {strides = array<i32>} : memref<8192xf32, #tpu.memory_space<vmem>>, vector<16xf32>,
          %get3A_94 = arith.index_cast %multiple_of3A : i32 to index
          %get3A_95 = tpu.vector_load %arg13[%get3A_94] {strides = array<i32>} : memref<8192xi32, #tpu.memory_space<vmem>>, vector<16xi32>,
          %div3A = arith.constant 2.000000e+00 : f32
          %div3A_96 = vector.broadcast %div3A : f32 to vector<16xf32>
          %div3A_97 = arith.divf %get3A_87, %div3A_96 : vector<16xf32>
          %add3A_98 = arith.constant 5.000000e-01 : f32
          %add3A_99 = vector.broadcast %add3A_98 : f32 to vector<16xf32>
          %add3A_100 = arith.addf %div3A_97, %add3A_99 : vector<16xf32>
          %mul3A_101 = arith.constant 1.280000e+02 : f32
          %mul3A_102 = vector.broadcast %mul3A_101 : f32 to vector<16xf32>
          %mul3A_103 = arith.mulf %add3A_100, %mul3A_102 : vector<16xf32>
          %convert_element_type3A_104 = arith.fptosi %mul3A_103 : vector<16xf32> to vector<16xi32>
          %jit3A = arith.constant 0 : i32
          %jit3A_105 = arith.constant 127 : i32
          %max3A = vector.broadcast %jit3A : i32 to vector<16xi32>
          %max3A_106 = arith.maxsi %max3A, %convert_element_type3A_104 : vector<16xi32>
          %min3A = vector.broadcast %jit3A_105 : i32 to vector<16xi32>
          %min3A_107 = arith.minsi %min3A, %max3A_106 : vector<16xi32>
          %div3A_108 = arith.constant 2.000000e+00 : f32
          %div3A_109 = vector.broadcast %div3A_108 : f32 to vector<16xf32>
          %div3A_110 = arith.divf %get3A_89, %div3A_109 : vector<16xf32>
          %add3A_111 = arith.constant 5.000000e-01 : f32
          %add3A_112 = vector.broadcast %add3A_111 : f32 to vector<16xf32>
          %add3A_113 = arith.addf %div3A_110, %add3A_112 : vector<16xf32>
          %mul3A_114 = arith.constant 1.280000e+02 : f32
          %mul3A_115 = vector.broadcast %mul3A_114 : f32 to vector<16xf32>
          %mul3A_116 = arith.mulf %add3A_113, %mul3A_115 : vector<16xf32>
          %convert_element_type3A_117 = arith.fptosi %mul3A_116 : vector<16xf32> to vector<16xi32>
          %jit3A_118 = arith.constant 0 : i32
          %jit3A_119 = arith.constant 127 : i32
          %max3A_120 = vector.broadcast %jit3A_118 : i32 to vector<16xi32>
          %max3A_121 = arith.maxsi %max3A_120, %convert_element_type3A_117 : vector<16xi32>
          %min3A_122 = vector.broadcast %jit3A_119 : i32 to vector<16xi32>
          %min3A_123 = arith.minsi %min3A_122, %max3A_121 : vector<16xi32>
          %div3A_124 = arith.constant 2.000000e+00 : f32
          %div3A_125 = vector.broadcast %div3A_124 : f32 to vector<16xf32>
          %div3A_126 = arith.divf %get3A_91, %div3A_125 : vector<16xf32>
          %add3A_127 = arith.constant 5.000000e-01 : f32
          %add3A_128 = vector.broadcast %add3A_127 : f32 to vector<16xf32>
          %add3A_129 = arith.addf %div3A_126, %add3A_128 : vector<16xf32>
          %mul3A_130 = arith.constant 1.280000e+02 : f32
          %mul3A_131 = vector.broadcast %mul3A_130 : f32 to vector<16xf32>
          %mul3A_132 = arith.mulf %add3A_129, %mul3A_131 : vector<16xf32>
          %convert_element_type3A_133 = arith.fptosi %mul3A_132 : vector<16xf32> to vector<16xi32>
          %jit3A_134 = arith.constant 0 : i32
          %jit3A_135 = arith.constant 127 : i32
          %max3A_136 = vector.broadcast %jit3A_134 : i32 to vector<16xi32>
          %max3A_137 = arith.maxsi %max3A_136, %convert_element_type3A_133 : vector<16xi32>
          %min3A_138 = vector.broadcast %jit3A_135 : i32 to vector<16xi32>
          %min3A_139 = arith.minsi %min3A_138, %max3A_137 : vector<16xi32>
          %lt3A_140 = vector.broadcast %squeeze3A : f32 to vector<16xf32>
          %lt3A_141 = arith.cmpf olt, %lt3A_140, %get3A_93 : vector<16xf32>
          %jit3A_142 = arith.constant 1 : i32
          %jit3A_143 = arith.constant 0 : i32
          %broadcast_in_dim3A_144 = vector.broadcast %jit3A_142 : i32 to vector<16xi32>
          %broadcast_in_dim3A_145 = vector.broadcast %jit3A_143 : i32 to vector<16xi32>
          %select_n3A = arith.select %lt3A_141, %broadcast_in_dim3A_144, %broadcast_in_dim3A_145 : vector<16xi1>, vector<16xi32>
          %add3A_146 = arith.addi %broadcast_in_dim3A_1, %select_n3A : vector<16xi32>
          %lt3A_147 = vector.broadcast %squeeze3A_4 : f32 to vector<16xf32>
          %lt3A_148 = arith.cmpf olt, %lt3A_147, %get3A_93 : vector<16xf32>
          %jit3A_149 = arith.constant 1 : i32
          %jit3A_150 = arith.constant 0 : i32
          %broadcast_in_dim3A_151 = vector.broadcast %jit3A_149 : i32 to vector<16xi32>
          %broadcast_in_dim3A_152 = vector.broadcast %jit3A_150 : i32 to vector<16xi32>
          %select_n3A_153 = arith.select %lt3A_148, %broadcast_in_dim3A_151, %broadcast_in_dim3A_152 : vector<16xi1>, vector<16xi32>
          %add3A_154 = arith.addi %add3A_146, %select_n3A_153 : vector<16xi32>
          %lt3A_155 = vector.broadcast %squeeze3A_6 : f32 to vector<16xf32>
          %lt3A_156 = arith.cmpf olt, %lt3A_155, %get3A_93 : vector<16xf32>
          %jit3A_157 = arith.constant 1 : i32
          %jit3A_158 = arith.constant 0 : i32
          %broadcast_in_dim3A_159 = vector.broadcast %jit3A_157 : i32 to vector<16xi32>
          %broadcast_in_dim3A_160 = vector.broadcast %jit3A_158 : i32 to vector<16xi32>
          %select_n3A_161 = arith.select %lt3A_156, %broadcast_in_dim3A_159, %broadcast_in_dim3A_160 : vector<16xi1>, vector<16xi32>
          %add3A_162 = arith.addi %add3A_154, %select_n3A_161 : vector<16xi32>
          %lt3A_163 = vector.broadcast %squeeze3A_8 : f32 to vector<16xf32>
          %lt3A_164 = arith.cmpf olt, %lt3A_163, %get3A_93 : vector<16xf32>
          %jit3A_165 = arith.constant 1 : i32
          %jit3A_166 = arith.constant 0 : i32
          %broadcast_in_dim3A_167 = vector.broadcast %jit3A_165 : i32 to vector<16xi32>
          %broadcast_in_dim3A_168 = vector.broadcast %jit3A_166 : i32 to vector<16xi32>
          %select_n3A_169 = arith.select %lt3A_164, %broadcast_in_dim3A_167, %broadcast_in_dim3A_168 : vector<16xi1>, vector<16xi32>
          %add3A_170 = arith.addi %add3A_162, %select_n3A_169 : vector<16xi32>
          %lt3A_171 = vector.broadcast %squeeze3A_10 : f32 to vector<16xf32>
          %lt3A_172 = arith.cmpf olt, %lt3A_171, %get3A_93 : vector<16xf32>
          %jit3A_173 = arith.constant 1 : i32
          %jit3A_174 = arith.constant 0 : i32
          %broadcast_in_dim3A_175 = vector.broadcast %jit3A_173 : i32 to vector<16xi32>
          %broadcast_in_dim3A_176 = vector.broadcast %jit3A_174 : i32 to vector<16xi32>
          %select_n3A_177 = arith.select %lt3A_172, %broadcast_in_dim3A_175, %broadcast_in_dim3A_176 : vector<16xi1>, vector<16xi32>
          %add3A_178 = arith.addi %add3A_170, %select_n3A_177 : vector<16xi32>
          %lt3A_179 = vector.broadcast %squeeze3A_12 : f32 to vector<16xf32>
          %lt3A_180 = arith.cmpf olt, %lt3A_179, %get3A_93 : vector<16xf32>
          %jit3A_181 = arith.constant 1 : i32
          %jit3A_182 = arith.constant 0 : i32
          %broadcast_in_dim3A_183 = vector.broadcast %jit3A_181 : i32 to vector<16xi32>
          %broadcast_in_dim3A_184 = vector.broadcast %jit3A_182 : i32 to vector<16xi32>
          %select_n3A_185 = arith.select %lt3A_180, %broadcast_in_dim3A_183, %broadcast_in_dim3A_184 : vector<16xi1>, vector<16xi32>
          %add3A_186 = arith.addi %add3A_178, %select_n3A_185 : vector<16xi32>
          %lt3A_187 = vector.broadcast %squeeze3A_14 : f32 to vector<16xf32>
          %lt3A_188 = arith.cmpf olt, %lt3A_187, %get3A_93 : vector<16xf32>
          %jit3A_189 = arith.constant 1 : i32
          %jit3A_190 = arith.constant 0 : i32
          %broadcast_in_dim3A_191 = vector.broadcast %jit3A_189 : i32 to vector<16xi32>
          %broadcast_in_dim3A_192 = vector.broadcast %jit3A_190 : i32 to vector<16xi32>
          %select_n3A_193 = arith.select %lt3A_188, %broadcast_in_dim3A_191, %broadcast_in_dim3A_192 : vector<16xi1>, vector<16xi32>
          %add3A_194 = arith.addi %add3A_186, %select_n3A_193 : vector<16xi32>
          %lt3A_195 = vector.broadcast %squeeze3A_16 : f32 to vector<16xf32>
          %lt3A_196 = arith.cmpf olt, %lt3A_195, %get3A_93 : vector<16xf32>
          %jit3A_197 = arith.constant 1 : i32
          %jit3A_198 = arith.constant 0 : i32
          %broadcast_in_dim3A_199 = vector.broadcast %jit3A_197 : i32 to vector<16xi32>
          %broadcast_in_dim3A_200 = vector.broadcast %jit3A_198 : i32 to vector<16xi32>
          %select_n3A_201 = arith.select %lt3A_196, %broadcast_in_dim3A_199, %broadcast_in_dim3A_200 : vector<16xi1>, vector<16xi32>
          %add3A_202 = arith.addi %add3A_194, %select_n3A_201 : vector<16xi32>
          %jit3A_203 = arith.constant 1 : i32
          %jit3A_204 = arith.constant 7 : i32
          %max3A_205 = vector.broadcast %jit3A_203 : i32 to vector<16xi32>
          %max3A_206 = arith.maxsi %max3A_205, %add3A_202 : vector<16xi32>
          %min3A_207 = vector.broadcast %jit3A_204 : i32 to vector<16xi32>
          %min3A_208 = arith.minsi %min3A_207, %max3A_206 : vector<16xi32>
          %broadcast_in_dim3A_209 = vector.broadcast %squeeze3A_14 : f32 to vector<16xf32>
          %broadcast_in_dim3A_210 = vector.broadcast %squeeze3A_16 : f32 to vector<16xf32>
          %eq3A = arith.constant 6 : i32
          %eq3A_211 = vector.broadcast %eq3A : i32 to vector<16xi32>
          %eq3A_212 = arith.cmpi eq, %min3A_208, %eq3A_211 : vector<16xi32>
          %broadcast_in_dim3A_213 = vector.broadcast %squeeze3A_12 : f32 to vector<16xf32>
          %select_n3A_214 = arith.select %eq3A_212, %broadcast_in_dim3A_213, %broadcast_in_dim3A_209 : vector<16xi1>, vector<16xf32>
          %broadcast_in_dim3A_215 = vector.broadcast %squeeze3A_14 : f32 to vector<16xf32>
          %select_n3A_216 = arith.select %eq3A_212, %broadcast_in_dim3A_215, %broadcast_in_dim3A_210 : vector<16xi1>, vector<16xf32>
          %eq3A_217 = arith.constant 5 : i32
          %eq3A_218 = vector.broadcast %eq3A_217 : i32 to vector<16xi32>
          %eq3A_219 = arith.cmpi eq, %min3A_208, %eq3A_218 : vector<16xi32>
          %broadcast_in_dim3A_220 = vector.broadcast %squeeze3A_10 : f32 to vector<16xf32>
          %select_n3A_221 = arith.select %eq3A_219, %broadcast_in_dim3A_220, %select_n3A_214 : vector<16xi1>, vector<16xf32>
          %broadcast_in_dim3A_222 = vector.broadcast %squeeze3A_12 : f32 to vector<16xf32>
          %select_n3A_223 = arith.select %eq3A_219, %broadcast_in_dim3A_222, %select_n3A_216 : vector<16xi1>, vector<16xf32>
          %eq3A_224 = arith.constant 4 : i32
          %eq3A_225 = vector.broadcast %eq3A_224 : i32 to vector<16xi32>
          %eq3A_226 = arith.cmpi eq, %min3A_208, %eq3A_225 : vector<16xi32>
          %broadcast_in_dim3A_227 = vector.broadcast %squeeze3A_8 : f32 to vector<16xf32>
          %select_n3A_228 = arith.select %eq3A_226, %broadcast_in_dim3A_227, %select_n3A_221 : vector<16xi1>, vector<16xf32>
          %broadcast_in_dim3A_229 = vector.broadcast %squeeze3A_10 : f32 to vector<16xf32>
          %select_n3A_230 = arith.select %eq3A_226, %broadcast_in_dim3A_229, %select_n3A_223 : vector<16xi1>, vector<16xf32>
          %eq3A_231 = arith.constant 3 : i32
          %eq3A_232 = vector.broadcast %eq3A_231 : i32 to vector<16xi32>
          %eq3A_233 = arith.cmpi eq, %min3A_208, %eq3A_232 : vector<16xi32>
          %broadcast_in_dim3A_234 = vector.broadcast %squeeze3A_6 : f32 to vector<16xf32>
          %select_n3A_235 = arith.select %eq3A_233, %broadcast_in_dim3A_234, %select_n3A_228 : vector<16xi1>, vector<16xf32>
          %broadcast_in_dim3A_236 = vector.broadcast %squeeze3A_8 : f32 to vector<16xf32>
          %select_n3A_237 = arith.select %eq3A_233, %broadcast_in_dim3A_236, %select_n3A_230 : vector<16xi1>, vector<16xf32>
          %eq3A_238 = arith.constant 2 : i32
          %eq3A_239 = vector.broadcast %eq3A_238 : i32 to vector<16xi32>
          %eq3A_240 = arith.cmpi eq, %min3A_208, %eq3A_239 : vector<16xi32>
          %broadcast_in_dim3A_241 = vector.broadcast %squeeze3A_4 : f32 to vector<16xf32>
          %select_n3A_242 = arith.select %eq3A_240, %broadcast_in_dim3A_241, %select_n3A_235 : vector<16xi1>, vector<16xf32>
          %broadcast_in_dim3A_243 = vector.broadcast %squeeze3A_6 : f32 to vector<16xf32>
          %select_n3A_244 = arith.select %eq3A_240, %broadcast_in_dim3A_243, %select_n3A_237 : vector<16xi1>, vector<16xf32>
          %eq3A_245 = arith.constant 1 : i32
          %eq3A_246 = vector.broadcast %eq3A_245 : i32 to vector<16xi32>
          %eq3A_247 = arith.cmpi eq, %min3A_208, %eq3A_246 : vector<16xi32>
          %broadcast_in_dim3A_248 = vector.broadcast %squeeze3A : f32 to vector<16xf32>
          %select_n3A_249 = arith.select %eq3A_247, %broadcast_in_dim3A_248, %select_n3A_242 : vector<16xi1>, vector<16xf32>
          %broadcast_in_dim3A_250 = vector.broadcast %squeeze3A_4 : f32 to vector<16xf32>
          %select_n3A_251 = arith.select %eq3A_247, %broadcast_in_dim3A_250, %select_n3A_244 : vector<16xi1>, vector<16xf32>
          %sub3A = arith.subf %get3A_93, %select_n3A_249 : vector<16xf32>
          %abs3A = math.absf %sub3A : vector<16xf32>
          %sub3A_252 = arith.subf %select_n3A_251, %get3A_93 : vector<16xf32>
          %abs3A_253 = math.absf %sub3A_252 : vector<16xf32>
          %le3A = arith.cmpf ole, %abs3A, %abs3A_253 : vector<16xf32>
          %sub3A_254 = arith.constant 1 : i32
          %sub3A_255 = vector.broadcast %sub3A_254 : i32 to vector<16xi32>
          %sub3A_256 = arith.subi %min3A_208, %sub3A_255 : vector<16xi32>
          %select_n3A_257 = arith.select %le3A, %sub3A_256, %min3A_208 : vector<16xi1>, vector<16xi32>
          %mul3A_258 = arith.constant 8 : i32
          %mul3A_259 = vector.broadcast %mul3A_258 : i32 to vector<16xi32>
          %mul3A_260 = arith.muli %get3A_95, %mul3A_259 : vector<16xi32>
          %add3A_261 = arith.addi %mul3A_260, %select_n3A_257 : vector<16xi32>
          %mul3A_262 = arith.constant 2097152 : i32
          %mul3A_263 = vector.broadcast %mul3A_262 : i32 to vector<16xi32>
          %mul3A_264 = arith.muli %add3A_261, %mul3A_263 : vector<16xi32>
          %mul3A_265 = arith.constant 16384 : i32
          %mul3A_266 = vector.broadcast %mul3A_265 : i32 to vector<16xi32>
          %mul3A_267 = arith.muli %min3A_107, %mul3A_266 : vector<16xi32>
          %add3A_268 = arith.addi %mul3A_264, %mul3A_267 : vector<16xi32>
          %mul3A_269 = arith.constant 128 : i32
          %mul3A_270 = vector.broadcast %mul3A_269 : i32 to vector<16xi32>
          %mul3A_271 = arith.muli %min3A_123, %mul3A_270 : vector<16xi32>
          %add3A_272 = arith.addi %add3A_268, %mul3A_271 : vector<16xi32>
          %add3A_273 = arith.addi %add3A_272, %min3A_139 : vector<16xi32>
          %swap3A = arith.index_cast %multiple_of3A : i32 to index
          %swap3A_274 = tpu.vector_load %arg15[%swap3A] {strides = array<i32>} : memref<8192xi32, #tpu.memory_space<vmem>>, vector<16xi32>,
          tpu.vector_store %arg15[%swap3A], %add3A_273 {strides = array<i32>} : memref<8192xi32, #tpu.memory_space<vmem>>, vector<16xi32>,
        }
        %scan3A_82 = arith.constant 512 : i32
      } else {
      }
      %dma_wait3A_61 = arith.constant 0 : i32
      %dma_wait3A_62 = tpu.memref_slice %arg7[%dma_wait3A_61] : memref<33554432xi32, #tpu.memory_space<hbm>> -> memref<33554432xi32, #tpu.memory_space<hbm>>
      tpu.wait_indirect_dma semaphore(%arg21 : memref<!tpu.dma_semaphore, #tpu.memory_space<semaphore_mem>>) src(%dma_wait3A_62 : memref<33554432xi32, #tpu.memory_space<hbm>>) dst(%arg18 : memref<8192xi32, #tpu.memory_space<vmem>>)
      %add3A_63 = arith.constant 1 : i32
      %add3A_64 = arith.addi %mul3A_34, %add3A_63 : i32
      %mul3A_65 = arith.constant 65536 : i32
      %mul3A_66 = arith.muli %add3A, %mul3A_65 : i32
      %mul3A_67 = arith.constant 8192 : i32
      %mul3A_68 = arith.muli %add3A_64, %mul3A_67 : i32
      %add3A_69 = arith.addi %mul3A_66, %mul3A_68 : i32
      "tpu.region"() ({
        %run_scoped3A = tpu.sem_alloc : memref<!tpu.dma_semaphore, #tpu.memory_space<semaphore_mem>>
        %dma_start3A_70 = tpu.memref_slice %arg9[%add3A_69] : memref<2097152xi32, #tpu.memory_space<hbm>> -> memref<8192xi32, #tpu.memory_space<hbm>>
        %dma_start3A_71 = tpu.memref_slice %arg9[%add3A_69] : memref<2097152xi32, #tpu.memory_space<hbm>> -> memref<8192xi32, #tpu.memory_space<hbm>>
        tpu.enqueue_dma source(%arg18 : memref<8192xi32, #tpu.memory_space<vmem>>) target(%dma_start3A_71 : memref<8192xi32, #tpu.memory_space<hbm>>) target_semaphore(%run_scoped3A : memref<!tpu.dma_semaphore, #tpu.memory_space<semaphore_mem>>)
        %dma_wait3A_72 = tpu.memref_slice %arg9[%add3A_69] : memref<2097152xi32, #tpu.memory_space<hbm>> -> memref<8192xi32, #tpu.memory_space<hbm>>
        %dma_wait3A_73 = tpu.memref_slice %arg9[%add3A_69] : memref<2097152xi32, #tpu.memory_space<hbm>> -> memref<8192xi32, #tpu.memory_space<hbm>>
        tpu.wait_dma2 semaphore(%run_scoped3A : memref<!tpu.dma_semaphore, #tpu.memory_space<semaphore_mem>>) src(%arg18 : memref<8192xi32, #tpu.memory_space<vmem>>) dst(%dma_wait3A_73 : memref<8192xi32, #tpu.memory_space<hbm>>)
        tpu.yield
      }) : () -> ()
    }
    %scan3A_31 = arith.constant 4 : i32
    return
  }
}

module attributes {stable_mosaic.version = 14 : i64} {
  func.func @_tobool_body(%arg0: i32, %arg1: memref<524288xi32, #tpu.memory_space<vmem>>, %arg2: memref<524288xi32, #tpu.memory_space<vmem>>) attributes {dimension_semantics = [#tpu.dimension_semantics<arbitrary>], iteration_bounds = array<i64: 4>, scalar_prefetch = 0 : i64, scratch_operands = 0 : i64, tpu.core_type = #tpu.core_type<tc>, window_params = [{transform_indices = @transform_0, window_bounds = array<i64: 524288>}, {transform_indices = @transform_1, window_bounds = array<i64: 524288>}]} {
    %get3A = arith.constant 0 : index
    %get3A_0 = vector.load %arg1[%get3A] : memref<524288xi32, #tpu.memory_space<vmem>>, vector<524288xi32>
    %ne3A = arith.constant 0 : i32
    %ne3A_1 = vector.broadcast %ne3A : i32 to vector<524288xi32>
    %ne3A_2 = arith.cmpi ne, %get3A_0, %ne3A_1 : vector<524288xi32>
    %swap3A = arith.constant 0 : index
    %swap3A_3 = vector.load %arg2[%swap3A] : memref<524288xi32, #tpu.memory_space<vmem>>, vector<524288xi32>
    %swap3A_4 = arith.extui %ne3A_2 : vector<524288xi1> to vector<524288xi32>
    %swap3A_5 = arith.constant dense<0> : vector<524288xi32>
    %swap3A_6 = arith.cmpi ne, %swap3A_3, %swap3A_5 : vector<524288xi32>
    tpu.vector_store %arg2[%swap3A], %swap3A_4 {strides = array<i32>} : memref<524288xi32, #tpu.memory_space<vmem>>, vector<524288xi32>,
    return
  }
  func.func @transform_0(%arg0: i32) -> i32 {
    %c0_i32 = arith.constant 0 : i32
    return %arg0 : i32
  }
  func.func @transform_1(%arg0: i32) -> i32 {
    %c0_i32 = arith.constant 0 : i32
    return %arg0 : i32
  }
}

</mosaic_0001>

<sc_bundles>
// kernel: kernel.4.cloned.1.call-start
scs
__scs_entry_jumppad:
0x0: {  	(pc) =	sbr.rel $0x88, $3  }
0x1: {  	(tag) =	ssettag $0x0;
	lr =	simm.s32 $0x1  }
0x2: {  	[smem:$0x3F9C] =	sst lr;
	_ =	strace $0xD0000000  }
0x3: {  	_ = 	snop  }
0x4: {  	_ = 	snop  }
0x5: {  	_ = 	snop  }
0x6: {  	_ = 	snop  }
0x7: {  	_ = 	snop  }
__scs_overlays_trampoline_lowered:
0x8: {  	[smem:$0x3FAB] =	sst s0  }
0x9: {  	[smem:$0x3FAC] =	sst s1  }
0xa: {  	[smem:$0x3FAD] =	sst s2  }
0xb: {  	[smem:$0x3FAE] =	sst s3  }
0xc: {  	[smem:$0x3FAF] =	sst s4  }
0xd: {  	[smem:$0x3FB0] =	sst s5  }
0xe: {  	[smem:$0x3FB1] =	sst s6  }
0xf: {  	[smem:$0x3FB2] =	sst s7  }
0x10: {  	[smem:$0x3FB3] =	sst s8  }
0x11: {  	[smem:$0x3FB4] =	sst s9;
	s0 =	simm.s32 @!p0 $0x0  }
0x12: {  	s1 =	sld [smem:$0x3F9A];
	s0 =	simm.s32 @p0 $0x1  }
0x13: {  	[smem:$0x3FB5] =	sst s0;
	s0 =	simm.s32 @!p1 $0x0  }
0x14: {  	s2 =	sld [smem:$0x3F99];
	s0 =	simm.s32 @p1 $0x1  }
0x15: {  	[smem:$0x3FB6] =	sst s0;
	s0 =	simm.s32 @!p2 $0x0  }
0x16: {  	s3 =	sld [smem:$0x3FDB];
	s0 =	simm.s32 @p2 $0x1  }
0x17: {  	s4 =	simm.s32 $0x1BF5;
	[smem:$0x3FB8] =	sst s0  }
0x18: {  	s0 =	sld [smem:$0x3F9B];
	_ =	swait.ge [sflag:s4], $0x0  }
0x19: {  	s7 =	sld [smem:$0x3F9C]  }
0x1a: {  	s8 =	sadd.s32 $0xFFFFE003, lr  }
0x1b: {  	s9 =	sadd.s32 $0xFFFFFEF7, lr;
	s5 =	simm.s32 $0xFFFFFFFF;
	p2 =	slt.u32 s8, $0xFFFFF086  }
0x1c: {  	p1 =	slt.u32 s9, $0xF7A;
	s5 =	simm.s32 @!p2 $0x0  }
0x1d: {  	s5 =	simm.s32 @p1 $0x1;
	p0 =	seq.s32 s7, s2  }
0x1e: {  	s7 =	smul.u32 @!p0 $0xF7A, s2;
	p2 =	seq.s32 @!p0 s5, $0x0  }
0x1f: {  	s9 =	smul.u32 $0xF7A, s1;
	s8 =	simm.s32 @!p0 $0x1BF5;
	p2 =	por !p2, p0  }
0x20: {  	[sflag:s8] =	ssyncset.s32 @!p0 $0xFFFFF086;
	s6 =	sadd.s32 @!p0 s3, s7;
	s7 =	simm.s32 @!p0 $0x108  }
0x21: {  	s3 =	sadd.s32 s3, s9;
	s6 =	sadd.s32 @!p0 $0x88, s6;
	s7 =	simm.s32 @p2 $0x1082  }
0x22: {  	[simem:s7], [sflag:s8] =	dma.local @!p0 [hbm:s6], $0xF7A  }
0x23: {  	s9 =	sor.u32 $0xD0000000, s2;
	s6 =	simm.s32 $0x108;
	_ =	swait.ge @!p0 [sflag:s8], $0x0  }
0x24: {  	s3 =	sadd.s32 $0x88, s3;
	s6 =	simm.s32 @!p1 $0x1082;
	[sflag:s4] =	ssyncset.s32 $0xFFFFF086  }
0x25: {  	[simem:s6], [sflag:s4] =	dma.local [hbm:s3], $0xF7A  }
0x26: {  	[smem:$0x3F9C] =	sst s1;
	(tag) =	ssettag s2;
	_ =	strace s9  }
0x27: {  	s1 =	sld [smem:$0x3FAC]  }
0x28: {  	s2 =	sld [smem:$0x3FAD]  }
0x29: {  	s4 =	sld [smem:$0x3FAF]  }
0x2a: {  	p0 =	seq.s32 s5, $0x0;
	s5 =	sld [smem:$0x3FB0]  }
0x2b: {  	s6 =	sld [smem:$0x3FB1]  }
0x2c: {  	s7 =	sld [smem:$0x3FB2]  }
0x2d: {  	s3 =	simm.s32 $0x108;
	s8 =	sld [smem:$0x3FB3]  }
0x2e: {  	s3 =	simm.s32 @!p0 $0x1082;
	s9 =	sld [smem:$0x3FB4]  }
0x2f: {  	lr =	sadd.s32 s0, s3;
	s0 =	sld [smem:$0x3FAB]  }
0x30: {  	s3 =	sld [smem:$0x3FAE]  }
0x31: {  	[smem:$0x3FB7] =	sst s10  }
0x32: {  	s10 =	sld [smem:$0x3FB5];
	_ =	sdelay $0x3  }
0x33: {  	p0 =	seq.s32 s10, $0x1;
	s10 =	sld [smem:$0x3FB7];
	_ =	sdelay $0x3  }
0x34: {  	[smem:$0x3FB7] =	sst s10  }
0x35: {  	s10 =	sld [smem:$0x3FB6];
	_ =	sdelay $0x3  }
0x36: {  	p1 =	seq.s32 s10, $0x1;
	s10 =	sld [smem:$0x3FB7];
	_ =	sdelay $0x3  }
0x37: {  	[smem:$0x3FB7] =	sst s10  }
0x38: {  	s10 =	sld [smem:$0x3FB8]  }
0x39: {  	_ = 	snop;
	(pc) =	sbr.ind lr, $3  }
0x3a: {  	_ = 	snop  }
0x3b: {  	_ = 	snop  }
0x3c: {  	p2 =	seq.s32 s10, $0x1;
	s10 =	sld [smem:$0x3FB7]  }
0x3d: {  	_ =	shalt  }
0x3e: {  	_ =	shalt  }
0x3f: {  	_ =	shalt  }
0x40: {  	_ =	shalt  }
0x41: {  	_ =	shalt  }
0x42: {  	_ =	shalt  }
0x43: {  	_ =	shalt  }
0x44: {  	_ =	shalt  }
0x45: {  	_ =	shalt  }
0x46: {  	_ =	shalt  }
0x47: {  	_ =	shalt  }
0x48: {  	_ =	shalt  }
0x49: {  	_ =	shalt  }
0x4a: {  	_ =	shalt  }
0x4b: {  	_ =	shalt  }
0x4c: {  	_ =	shalt  }
0x4d: {  	_ =	shalt  }
0x4e: {  	_ =	shalt  }
0x4f: {  	_ =	shalt  }
0x50: {  	_ =	shalt  }
0x51: {  	_ =	shalt  }
0x52: {  	_ =	shalt  }
0x53: {  	_ =	shalt  }
0x54: {  	_ =	shalt  }
0x55: {  	_ =	shalt  }
0x56: {  	_ =	shalt  }
0x57: {  	_ =	shalt  }
0x58: {  	_ =	shalt  }
0x59: {  	_ =	shalt  }
0x5a: {  	_ =	shalt  }
0x5b: {  	_ =	shalt  }
0x5c: {  	_ =	shalt  }
0x5d: {  	_ =	shalt  }
0x5e: {  	_ =	shalt  }
0x5f: {  	_ =	shalt  }
0x60: {  	_ =	shalt  }
0x61: {  	_ =	shalt  }
0x62: {  	_ =	shalt  }
0x63: {  	_ =	shalt  }
0x64: {  	_ =	shalt  }
0x65: {  	_ =	shalt  }
0x66: {  	_ =	shalt  }
0x67: {  	_ =	shalt  }
0x68: {  	_ =	shalt  }
0x69: {  	_ =	shalt  }
0x6a: {  	_ =	shalt  }
0x6b: {  	_ =	shalt  }
0x6c: {  	_ =	shalt  }
0x6d: {  	_ =	shalt  }
0x6e: {  	_ =	shalt  }
0x6f: {  	_ =	shalt  }
0x70: {  	_ =	shalt  }
0x71: {  	_ =	shalt  }
0x72: {  	_ =	shalt  }
0x73: {  	_ =	shalt  }
0x74: {  	_ =	shalt  }
0x75: {  	_ =	shalt  }
0x76: {  	_ =	shalt  }
0x77: {  	_ =	shalt  }
0x78: {  	_ =	shalt  }
0x79: {  	_ =	shalt  }
0x7a: {  	_ =	shalt  }
0x7b: {  	_ =	shalt  }
0x7c: {  	_ =	shalt  }
0x7d: {  	_ =	shalt  }
0x7e: {  	_ =	shalt  }
0x7f: {  	_ =	shalt  }
0x80: {  	_ =	shalt  }
0x81: {  	_ =	shalt  }
0x82: {  	_ =	shalt  }
0x83: {  	_ =	shalt  }
0x84: {  	_ =	shalt  }
0x85: {  	_ =	shalt  }
0x86: {  	_ =	shalt  }
0x87: {  	_ =	shalt  }
.Lfunc_end0:
.L_simem_size_0:
called_computation_lowered:
.L_overlay_start_0:
0x88: {  	s2 =	sld [smem:$0x3FD9]  }
0x89: {  	s3 =	sld [smem:$0x3FFE];
	_ =	sdelay $0x1  }
0x8a: {  	s1 =	srdreg.scid  }
0x8b: {  	s0 =	sand.u32 $0x1, s1  }
0x8c: {  	s17 =	sshll.u32 s0, $0xA;
	s2 =	sadd.s32 s3, s2  }
0x8d: {  	s2 =	sadd.s32 s2, s17  }
0x8e: {  	[smem:$0x3FC3] =	sst s2  }
0x8f: {  	_ = 	snop  }
0x90: {  	s2 =	sld [smem:$0x3FC8]  }
0x91: {  	s18 =	sld [smem:$0x3FC7]  }
0x92: {  	s4 =	sld [smem:$0x3FD0];
	(tm) =	ssettm $0x1  }
0x93: {  	s5 =	sld [smem:$0x3FFB];
	_ =	sdelay $0x3  }
0x94: {  	_ =	strace s5  }
0x95: {  	s5 =	sld [smem:$0x3FFC];
	_ =	sdelay $0x3  }
0x96: {  	_ =	strace s5  }
0x97: {  	s5 =	sld [smem:$0x3FFD];
	_ =	sdelay $0x3  }
0x98: {  	_ =	strace s5  }
0x99: {  	_ =	strace $0x8FFFFFFF  }
0x9a: {  	s19 =	sld [smem:$0x3FDB];
	_ =	sdelay $0x1  }
0x9b: {  	s6 =	simm.s32 $_scs_section_size  }
0x9c: {  	s7 =	simm.s32 $_size__tile_overlayer_lowered;
	s8 =	simm.s32 $_tile_overlayer_lowered  }
0x9d: {  	s22 =	simm.s32 $0x1BFF;
	s21 =	sshll.u32 s8, $0x1;
	s5 =	sadd.s32 s6, s19  }
0x9e: {  	s9 =	simm.s32 $0x0;
	s20 =	sshll.u32 s7, $0x1;
	s7 =	sadd.s32 s21, s5  }
0x9f: {  	[timem:s9], [sflag:s22] =	dma.local [hbm:s7], s20  }
0xa0: {  	_ =	swait.ge [sflag:s22], s20  }
0xa1: {  	s6 =	ssub.s32 $0x0, s20;
	[sflag:s22] =	ssyncset.done $0x0  }
0xa2: {  	[sflag:s22] =	ssyncadd.s32 s6;
	_ =	sdelay $0x1  }
0xa3: {  	s23 =	simm.s32 $0x1B8B  }
0xa4: {  	_ =	swait.ge [sflag:s23], $0x1  }
0xa5: {  	[sflag:s23] =	ssyncset.done $0x0  }
0xa6: {  	s25 =	simm.s32 $0x1B8E;
	s24 =	sld [smem:$0x3FFE];
	[sflag:s23] =	ssyncadd.s32 $0xFFFFFFFF  }
0xa7: {  	s26 =	simm.s32 $execute0_lowered;
	[smem:$0x3FD2] =	sst s25  }
0xa8: {  	s7 =	sshll.u32 s26, $0x1;
	_ =	strace $0x80000046;
	[dreg:$0x1] =	wrdreg $0xFFFFFFFF  }
0xa9: {  	s28 =	simm.s32 $_size_execute0_lowered;
	s5 =	sadd.s32 s5, s7;
	[dreg:$0x0] =	wrdreg $0x0  }
0xaa: {  	s7 =	sshll.u32 s28, $0x1;
	[dreg:$0x2] =	wrdreg s5  }
0xab: {  	[dreg:$0x3] =	wrdreg s7  }
0xac: {  	[dreg:$0x4] =	wrdreg $0xC0  }
0xad: {  	_ =	task [dreg:s9], $0x5FFFF  }
0xae: {  	[dreg:$0x1] =	wrdreg $0xFFFFFFFF  }
0xaf: {  	[dreg:$0x0] =	wrdreg $0x60  }
0xb0: {  	[dreg:$0x2] =	wrdreg s24  }
0xb1: {  	[dreg:$0x3] =	wrdreg s2  }
0xb2: {  	[dreg:$0x4] =	wrdreg s18  }
0xb3: {  	[dreg:$0x5] =	wrdreg s4  }
0xb4: {  	[dreg:$0x6] =	wrdreg $0x9  }
0xb5: {  	_ =	task.clear_ibuf [dreg:s9], $0x7FFFF;
	_ =	strace $0x90000046  }
0xb6: {  	s29 =	simm.s32 $0x9;
	_ =	strace $0x80000048  }
0xb7: {  	_ =	swait.ge [sflag:s29], $0x1  }
0xb8: {  	[sflag:s29] =	ssyncadd.s32 $0xFFFFFFFF  }
0xb9: {  	_ =	strace $0x90000048  }
0xba: {  	_ =	sfence  }
0xbb: {  	s30 =	sld [smem:$0x0];
	_ =	sdelay $0x2  }
0xbc: {  	s31 =	sshll.u32 s1, $0xD;
	s1 =	sshrl.u32 s1, $0x2  }
0xbd: {  	s3 =	sand.u32 $0x4000, s31;
	s1 =	sadd.s32 s1, s30  }
0xbe: {  	s0 =	sor.u32 s3, s0;
	s1 =	sshll.u32 s1, $0x11  }
0xbf: {  	s0 =	sor.u32 s1, s0  }
0xc0: {  	s0 =	sadd.s32 $0x8F2B, s0  }
0xc1: {  	[sflag:s0] =	ssyncadd.remote.s32 $0x1  }
0xc2: {  	_ =	sfence.sel $0xFFFF  }
0xc3: {  	[dreg:$0x0] =	wrdreg $0xFFFFFFFF;
	(pc) =	sbr.abs _section_cstart, $3  }
0xc4: {  	[dreg:$0x1] =	wrdreg $0xFFFFFFFF  }
0xc5: {  	_ =	task.clear_ibuf [dreg:s9], $0x2FFFF;
	_ =	strace $0x9FFFFFFF  }
0xc6: {  	(tm) =	ssettm $0x7FFFFFFF  }
0xc7: {  	_ =	shalt  }
tec
execute0_lowered:
.L_overlay_start_1:
0x0: {  	(tag) =	ssettag $0x1  }
0x1: {  	s0 =	rddreg [dreg:$0x0]  }
0x2: {  	s1 =	rddreg [dreg:$0x1]  }
0x3: {  	s2 =	rddreg [dreg:$0x2];
	s4 =	simm.s32 $0x0  }
0x4: {  	s3 =	srdreg.scid;
	s5 =	stileid.u32;
	s20 =	simm.s32 $0x3  }
0x5: {  	s28 =	simm.s32 $0xC000;
	s29 =	simm.s32 $0x10000;
	s30 =	simm.s32 $0x1  }
0x6: {  	s31 =	simm.s32 $0x2;
	[smem:$0x7FF] =	sst s4;
	s6 =	sadd.s32 $0x80A00, s0  }
0x7: {  	v0 =	vimm.f32 $2.000000000e+00;
	s7 =	sadd.s32 $0x40A00, s0;
	s3 =	sand.u32 $0x1, s3;
	_ =	strace $0x80000047  }
0x8: {  	s8 =	sadd.s32 $0xA00, s0;
	s5 =	sshll.u32 s5, $0x11;
	s10 =	sshll.u32 s3, $0x10;
	(erf) = vrcp.f32 v0  }
0x9: {  	s9 =	sadd.s32 $0xC0A00, s0;
	s3 =	ssub.s32 $0x2, s3;
	s10 =	sor.u32 s10, s5  }
0xa: {  	s11 =	sadd.s32 $0x4C0A00, s0;
	s21 =	sshrl.u32 s3, $0x1;
	s5 =	sshrl.u32 s10, $0x3  }
0xb: {  	s0 =	ssub.s32 s3, s21;
	s17 =	sor.u32 $0x4000, s10;
	s22 =	sadd.s32 s6, s5  }
0xc: {  	s21 =	simm.s32 $0x2000;
	s23 =	sadd.s32 s7, s5;
	[dreg:$0x5] =	wrdreg s22  }
.Ltmp0:
0xd: {  	s24 =	sadd.s32 s8, s5;
	[dreg:$0x6] =	wrdreg s23;
	(pc) =	sbr.rel .LBB2_1-.Ltmp0, $4  }
0xe: {  	s25 =	sadd.s32 s1, s5;
	s26 =	sadd.s32 s2, s5;
	[dreg:$0x7] =	wrdreg s24  }
0xf: {  	s18 =	smax.u32 s0, $0x1;
	s0 =	simm.s32 $0x0;
	[dreg:$0x8] =	wrdreg s25  }
0x10: {  	[dreg:$0x9] =	wrdreg s26;
	s22 =	simm.s32 $0x4000;
	s23 =	simm.s32 $0x6000  }
0x11: {  	v1 =	vimm.s32 $0x0;
	s24 =	simm.s32 $0x8000;
	s25 =	simm.s32 $0xA000;
	s26 =	simm.s32 $0xE000;
	v0 =	vpop (erf)  }
.LBB2_11:
0x12: {  	s0 =	sadd.s32 $0x1, s0  }
0x13: {  	p0 =	sne.s32 s0, s18  }
.Ltmp1:
0x14: {  	_ = 	snop;
	(pc) =	sbr.rel @!p0 .LBB2_12-.Ltmp1, $1  }
0x15: {  	_ =	sdelay $0x3  }
.LBB2_1:
0x16: {  	s3 =	rddreg [dreg:$0x3];
	s5 =	simm.s32 $0x12000  }
0x17: {  	[tilespmem:s5], [sflag:$0x3] =	stream.linear.gather [hbm4b:s3+s4], $0x80, $0x38;
	[tilespmem:$0x12080] =	vst v63  }
0x18: {  	_ =	swait.ge [sflag:s20], $0x80  }
0x19: {  	[sflag:s20] =	ssyncset.done $0x0  }
0x1a: {  	s13 =	rddreg [dreg:$0x5];
	[sflag:s20] =	ssyncadd.s32 $0xFFFFFF80  }
0x1b: {  	v9 =	vld [tilespmem:$0x12000];
	[tilespmem:s4], [sflag:$0x3] =	stream.linear.gather [hbm4b:s13+s4], $0x2000, $0x38  }
0x1c: {  	_ =	swait.ge [sflag:s20], $0x2000  }
0x1d: {  	[sflag:s20] =	ssyncset.done $0x0  }
0x1e: {  	s14 =	rddreg [dreg:$0x6];
	[sflag:s20] =	ssyncadd.s32 $0xFFFFE000  }
0x1f: {  	[tilespmem:s21], [sflag:$0x3] =	stream.linear.gather [hbm4b:s14+s4], $0x2000, $0x38;
	[tilespmem:$0x12080] =	vst v63  }
0x20: {  	_ =	swait.ge [sflag:s20], $0x2000  }
0x21: {  	[sflag:s20] =	ssyncset.done $0x0  }
0x22: {  	s15 =	rddreg [dreg:$0x7];
	[sflag:s20] =	ssyncadd.s32 $0xFFFFE000  }
0x23: {  	[tilespmem:s22], [sflag:$0x3] =	stream.linear.gather [hbm4b:s15+s4], $0x2000, $0x38;
	[tilespmem:$0x12080] =	vst v63  }
0x24: {  	_ =	swait.ge [sflag:s20], $0x2000  }
0x25: {  	[sflag:s20] =	ssyncset.done $0x0  }
0x26: {  	s16 =	rddreg [dreg:$0x8];
	[sflag:s20] =	ssyncadd.s32 $0xFFFFE000  }
0x27: {  	[tilespmem:s23], [sflag:$0x3] =	stream.linear.gather [hbm4b:s16+s4], $0x2000, $0x38;
	[tilespmem:$0x12080] =	vst v63  }
0x28: {  	_ =	swait.ge [sflag:s20], $0x2000  }
0x29: {  	[sflag:s20] =	ssyncset.done $0x0  }
0x2a: {  	s19 =	rddreg [dreg:$0x9];
	[sflag:s20] =	ssyncadd.s32 $0xFFFFE000  }
0x2b: {  	[tilespmem:s24], [sflag:$0x3] =	stream.linear.gather [hbm4b:s19+s4], $0x2000, $0x38;
	[tilespmem:$0x12080] =	vst v63  }
0x2c: {  	_ =	swait.ge [sflag:s20], $0x2000  }
0x2d: {  	[sflag:s20] =	ssyncset.done $0x0  }
0x2e: {  	s3 =	simm.s32 $0x0;
	[sflag:s20] =	ssyncadd.s32 $0xFFFFE000  }
0x2f: {  	v10 =	vld [tilespmem:s3+$0x4000]  }
0x30: {  	v11 =	vld [tilespmem:s3+$0x2000]  }
0x31: {  	v12 =	vld [tilespmem:s3+$0x0]  }
0x32: {  	v2 =	vbroadcast v9, $0x0;
	v13 =	vld [tilespmem:s3+$0x8000]  }
0x33: {  	v3 =	vbroadcast v9, $0x1;
	v4 =	vbroadcast v9, $0x2  }
0x34: {  	v5 =	vbroadcast v9, $0x3;
	v6 =	vbroadcast v9, $0x4  }
0x35: {  	v7 =	vbroadcast v9, $0x5;
	v8 =	vbroadcast v9, $0x6  }
0x36: {  	v9 =	vbroadcast v9, $0x7;
	v11 =	vmul.f32 v11, v0  }
0x37: {  	v10 =	vmul.f32 v10, v0;
	v12 =	vmul.f32 v12, v0;
	vm0 =	vlt.f32 v8, v13  }
0x38: {  	vm1 =	vlt.f32 v9, v13;
	vm2 =	vlt.f32 v2, v13;
	vm3 =	vlt.f32 v3, v13  }
0x39: {  	v14 =	vsel vm2, $0x1, v1;
	v15 =	vsel vm3, $0x1, v1;
	vm2 =	vlt.f32 v4, v13  }
0x3a: {  	vm4 =	vlt.f32 v7, v13;
	v14 =	vadd.s32 v15, v14;
	v15 =	vsel vm2, $0x1, v1  }
0x3b: {  	vm2 =	vlt.f32 v5, v13;
	v10 =	vadd.f32 $5.000000000e-01, v10;
	v11 =	vadd.f32 $5.000000000e-01, v11  }
0x3c: {  	v14 =	vadd.s32 v15, v14;
	v15 =	vsel vm2, $0x1, v1;
	vm2 =	vlt.f32 v6, v13  }
0x3d: {  	v12 =	vadd.f32 $5.000000000e-01, v12;
	v14 =	vadd.s32 v15, v14;
	v15 =	vsel vm2, $0x1, v1  }
0x3e: {  	v10 =	vmul.f32 $1.280000000e+02, v10;
	v14 =	vadd.s32 v15, v14;
	v15 =	vsel vm4, $0x1, v1  }
0x3f: {  	v11 =	vmul.f32 $1.280000000e+02, v11;
	v14 =	vadd.s32 v15, v14;
	v15 =	vsel vm0, $0x1, v1  }
0x40: {  	v16 =	vsel vm1, $0x1, v1;
	v12 =	vmul.f32 $1.280000000e+02, v12;
	v14 =	vadd.s32 v15, v14  }
0x41: {  	v10 =	vtrunc.f32 v10;
	v11 =	vtrunc.f32 v11;
	v14 =	vadd.s32 v16, v14  }
0x42: {  	v12 =	vtrunc.f32 v12;
	v18 =	vcvt.f32.s32 v11;
	vm0 =	veq.s32 v14, $0x6  }
0x43: {  	v15 =	vsel vm0, v7, v8;
	v16 =	vsel vm0, v8, v9;
	vm0 =	veq.s32 v14, $0x5  }
0x44: {  	v15 =	vsel vm0, v6, v15;
	v16 =	vsel vm0, v7, v16;
	vm0 =	veq.s32 v14, $0x4  }
0x45: {  	v15 =	vsel vm0, v5, v15;
	v16 =	vsel vm0, v6, v16;
	vm0 =	veq.s32 v14, $0x3  }
0x46: {  	v15 =	vsel vm0, v4, v15;
	v16 =	vsel vm0, v5, v16;
	vm0 =	veq.s32 v14, $0x2  }
0x47: {  	v17 =	vld [tilespmem:s3+$0x6000];
	v15 =	vsel vm0, v3, v15;
	v16 =	vsel vm0, v4, v16;
	vm0 =	vlt.u32 v14, $0x2  }
0x48: {  	v11 =	vcvt.f32.s32 v10;
	v15 =	vsel vm0, v2, v15;
	v16 =	vsel vm0, v3, v16  }
0x49: {  	v10 =	vcvt.f32.s32 v12;
	v15 =	vsub.f32 v13, v15;
	v16 =	vsub.f32 v16, v13;
	_ =	sdelay $0x1  }
0x4a: {  	s5 =	simm.s32 $0x10;
	vm2 =	vgt.s32 v10, $0x0;
	v15 =	vand.u32 $0x7FFFFFFF, v15;
	v16 =	vand.u32 $0x7FFFFFFF, v16  }
0x4b: {  	v12 =	vld [tilespmem:s5+$0x4000];
	v13 =	vshll.u32 v17, $0x18;
	v17 =	vmax.u32 v14, $0x1;
	vm1 =	vle.f32 v15, v16  }
0x4c: {  	v19 =	vnsel vm2, $0x0, v10;
	v10 =	vld [tilespmem:s5+$0x8000];
	v16 =	vmin.u32 v17, $0x7;
	v17 =	vsel vm1, $0xFFFFFFFF, v1  }
0x4d: {  	vm0 =	vgt.s32 v11, $0x0;
	v14 =	vld [tilespmem:s5+$0x2000];
	vm1 =	vgt.s32 v18, $0x0;
	v20 =	vadd.s32 v17, v16  }
0x4e: {  	s12 =	simm.s32 $0x80;
	v15 =	vld [tilespmem:s5+$0x0];
	v16 =	vmin.u32 v19, $0x7F;
	v17 =	vnsel vm1, $0x0, v18;
	v18 =	vshll.u32 v20, $0x15  }
.LBB2_2:
0x4f: {  	p0 =	sne.s32 s12, $0x7FC0;
	v17 =	vmin.u32 v17, $0x7F;
	v13 =	vadd.s32 v13, v18;
	v16 =	vshll.u32 v16, $0xE  }
0x50: {  	v11 =	vnsel vm0, $0x0, v11;
	v13 =	vor.u32 v16, v13;
	v16 =	vshll.u32 v17, $0x7  }
0x51: {  	v11 =	vmin.u32 v11, $0x7F;
	v13 =	vor.u32 v16, v13  }
0x52: {  	v12 =	vmul.f32 v12, v0;
	v14 =	vmul.f32 v14, v0;
	v11 =	vor.u32 v11, v13  }
0x53: {  	v13 =	vmul.f32 v15, v0;
	vm0 =	vlt.f32 v8, v10;
	vm1 =	vlt.f32 v9, v10;
	[tilespmem:s3+$0xA000] =	vst v11;
	s3 =	smov.u32 s5  }
0x54: {  	vm2 =	vlt.f32 v2, v10;
	vm3 =	vlt.f32 v3, v10;
	vm4 =	vlt.f32 v7, v10  }
0x55: {  	v11 =	vsel vm2, $0x1, v1;
	v15 =	vsel vm3, $0x1, v1;
	vm2 =	vlt.f32 v4, v10  }
0x56: {  	v11 =	vadd.s32 v15, v11;
	v15 =	vsel vm2, $0x1, v1;
	vm2 =	vlt.f32 v5, v10  }
0x57: {  	v11 =	vadd.s32 v15, v11;
	v15 =	vsel vm2, $0x1, v1;
	vm2 =	vlt.f32 v6, v10  }
0x58: {  	v16 =	vsel vm1, $0x1, v1;
	v11 =	vadd.s32 v15, v11;
	v15 =	vsel vm2, $0x1, v1  }
0x59: {  	v12 =	vadd.f32 $5.000000000e-01, v12;
	v11 =	vadd.s32 v15, v11;
	v15 =	vsel vm4, $0x1, v1  }
0x5a: {  	v14 =	vadd.f32 $5.000000000e-01, v14;
	v11 =	vadd.s32 v15, v11;
	v15 =	vsel vm0, $0x1, v1  }
0x5b: {  	v13 =	vadd.f32 $5.000000000e-01, v13;
	v12 =	vmul.f32 $1.280000000e+02, v12;
	v11 =	vadd.s32 v15, v11  }
0x5c: {  	v14 =	vmul.f32 $1.280000000e+02, v14;
	v15 =	vadd.s32 v16, v11  }
0x5d: {  	v12 =	vtrunc.f32 v12;
	v11 =	vmul.f32 $1.280000000e+02, v13;
	vm0 =	veq.s32 v15, $0x6  }
0x5e: {  	v13 =	vsel vm0, v7, v8;
	v16 =	vsel vm0, v8, v9;
	vm0 =	veq.s32 v15, $0x5  }
0x5f: {  	v13 =	vsel vm0, v6, v13;
	v16 =	vsel vm0, v7, v16;
	vm0 =	veq.s32 v15, $0x4  }
0x60: {  	v13 =	vsel vm0, v5, v13;
	v16 =	vsel vm0, v6, v16;
	vm0 =	veq.s32 v15, $0x3;
	v17 =	vld [tilespmem:s3+$0x6000]  }
0x61: {  	v13 =	vsel vm0, v4, v13;
	v16 =	vsel vm0, v5, v16;
	vm0 =	veq.s32 v15, $0x2  }
0x62: {  	v13 =	vsel vm0, v3, v13;
	v16 =	vsel vm0, v4, v16;
	vm0 =	vlt.u32 v15, $0x2  }
0x63: {  	v14 =	vtrunc.f32 v14;
	v13 =	vsel vm0, v2, v13;
	v16 =	vsel vm0, v3, v16  }
0x64: {  	v18 =	vtrunc.f32 v11;
	v19 =	vsub.f32 v10, v13;
	v10 =	vsub.f32 v16, v10  }
0x65: {  	v20 =	vcvt.f32.s32 v14;
	v11 =	vcvt.f32.s32 v12;
	v13 =	vshll.u32 v17, $0x18  }
.Ltmp2:
0x66: {  	s5 =	sshra.s32 s12, $0x2;
	v16 =	vcvt.f32.s32 v18;
	v14 =	vand.u32 $0x7FFFFFFF, v19;
	v10 =	vand.u32 $0x7FFFFFFF, v10;
	(pc) =	sbr.rel @p0 .LBB2_2-.Ltmp2, $4  }
0x67: {  	v15 =	vmax.u32 v15, $0x1;
	vm0 =	vgt.s32 v11, $0x0;
	vm1 =	vle.f32 v14, v10;
	v12 =	vld [tilespmem:s5+$0x4000]  }
0x68: {  	vm2 =	vgt.s32 v16, $0x0;
	v10 =	vmin.u32 v15, $0x7;
	v17 =	vsel vm1, $0xFFFFFFFF, v1;
	v14 =	vld [tilespmem:s5+$0x2000]  }
0x69: {  	v16 =	vnsel vm2, $0x0, v16;
	vm1 =	vgt.s32 v20, $0x0;
	v18 =	vadd.s32 v17, v10;
	v15 =	vld [tilespmem:s5+$0x0]  }
0x6a: {  	s12 =	sadd.s32 $0x40, s12;
	v16 =	vmin.u32 v16, $0x7F;
	v17 =	vnsel vm1, $0x0, v20;
	v18 =	vshll.u32 v18, $0x15;
	v10 =	vld [tilespmem:s5+$0x8000]  }
0x6b: {  	v17 =	vmin.u32 v17, $0x7F  }
0x6c: {  	v13 =	vadd.s32 v13, v18;
	v16 =	vshll.u32 v16, $0xE;
	v11 =	vnsel vm0, $0x0, v11  }
0x6d: {  	v13 =	vor.u32 v16, v13;
	v47 =	vshll.u32 v17, $0x7;
	v12 =	vmul.f32 v12, v0  }
0x6e: {  	v11 =	vmin.u32 v11, $0x7F;
	v13 =	vor.u32 v47, v13;
	v14 =	vmul.f32 v14, v0  }
0x6f: {  	v15 =	vmul.f32 v15, v0;
	v12 =	vadd.f32 $5.000000000e-01, v12;
	vm12 =	vlt.f32 v2, v10  }
0x70: {  	vm1 =	vlt.f32 v3, v10;
	vm13 =	vlt.f32 v4, v10;
	vm14 =	vlt.f32 v5, v10  }
0x71: {  	vm15 =	vlt.f32 v6, v10;
	v48 =	vsel vm12, $0x1, v1;
	v49 =	vsel vm1, $0x1, v1  }
0x72: {  	vm4 =	vlt.f32 v8, v10;
	v50 =	vsel vm13, $0x1, v1;
	v16 =	vadd.s32 v49, v48  }
0x73: {  	vm5 =	vlt.f32 v9, v10;
	v51 =	vsel vm14, $0x1, v1;
	v16 =	vadd.s32 v50, v16  }
0x74: {  	vm2 =	vlt.f32 v7, v10;
	v52 =	vsel vm15, $0x1, v1;
	v16 =	vadd.s32 v51, v16  }
0x75: {  	v14 =	vadd.f32 $5.000000000e-01, v14;
	v54 =	vsel vm2, $0x1, v1;
	v16 =	vadd.s32 v52, v16  }
0x76: {  	v53 =	vsel vm5, $0x1, v1;
	v55 =	vsel vm4, $0x1, v1;
	v16 =	vadd.s32 v54, v16  }
0x77: {  	v15 =	vadd.f32 $5.000000000e-01, v15;
	v12 =	vmul.f32 $1.280000000e+02, v12;
	v16 =	vadd.s32 v55, v16  }
0x78: {  	v11 =	vor.u32 v11, v13;
	v56 =	vmul.f32 $1.280000000e+02, v14;
	v57 =	vadd.s32 v53, v16  }
0x79: {  	v15 =	vmul.f32 $1.280000000e+02, v15;
	v12 =	vtrunc.f32 v12;
	vm6 =	veq.s32 v57, $0x6  }
0x7a: {  	vm7 =	veq.s32 v57, $0x5;
	v58 =	vsel vm6, v7, v8;
	v59 =	vsel vm6, v8, v9  }
0x7b: {  	[tilespmem:s3+$0xA000] =	vst v11;
	vm8 =	veq.s32 v57, $0x4;
	v11 =	vsel vm7, v6, v58;
	v60 =	vsel vm7, v7, v59  }
0x7c: {  	v61 =	vld [tilespmem:s5+$0x6000];
	vm9 =	veq.s32 v57, $0x3;
	v11 =	vsel vm8, v5, v11;
	v16 =	vsel vm8, v6, v60  }
0x7d: {  	vm10 =	veq.s32 v57, $0x2;
	v11 =	vsel vm9, v4, v11;
	v16 =	vsel vm9, v5, v16  }
0x7e: {  	vm11 =	vlt.u32 v57, $0x2;
	v11 =	vsel vm10, v3, v11;
	v16 =	vsel vm10, v4, v16  }
0x7f: {  	v13 =	vtrunc.f32 v56;
	v11 =	vsel vm11, v2, v11;
	v16 =	vsel vm11, v3, v16  }
0x80: {  	v12 =	vcvt.f32.s32 v12;
	v11 =	vsub.f32 v10, v11;
	v10 =	vsub.f32 v16, v10  }
0x81: {  	v15 =	vtrunc.f32 v15;
	v13 =	vcvt.f32.s32 v13;
	v62 =	vshll.u32 v61, $0x18  }
0x82: {  	v15 =	vcvt.f32.s32 v15;
	v11 =	vand.u32 $0x7FFFFFFF, v11;
	v10 =	vand.u32 $0x7FFFFFFF, v10  }
0x83: {  	vm12 =	vgt.s32 v12, $0x0;
	v14 =	vmax.u32 v57, $0x1;
	vm13 =	vle.f32 v11, v10  }
0x84: {  	vm14 =	vgt.s32 v15, $0x0;
	v10 =	vmin.u32 v14, $0x7;
	v11 =	vsel vm13, $0xFFFFFFFF, v1  }
0x85: {  	vm15 =	vgt.s32 v13, $0x0;
	v63 =	vnsel vm14, $0x0, v15;
	v10 =	vadd.s32 v11, v10  }
0x86: {  	v13 =	vnsel vm15, $0x0, v13;
	v11 =	vmin.u32 v63, $0x7F;
	v10 =	vshll.u32 v10, $0x15  }
.Ltmp3:
0x87: {  	v13 =	vmin.u32 v13, $0x7F;
	v11 =	vshll.u32 v11, $0xE;
	v10 =	vadd.s32 v62, v10;
	(pc) =	sbr.rel .LBB2_4-.Ltmp3, $4  }
0x88: {  	v12 =	vnsel vm12, $0x0, v12;
	v10 =	vor.u32 v11, v10;
	v11 =	vshll.u32 v13, $0x7  }
0x89: {  	v12 =	vmin.u32 v12, $0x7F;
	v10 =	vor.u32 v11, v10  }
0x8a: {  	v10 =	vor.u32 v12, v10  }
0x8b: {  	s3 =	simm.s32 $0x0;
	[tilespmem:s5+$0xA000] =	vst v10;
	s5 =	simm.s32 $0x0  }
.LBB2_10:
0x8c: {  	_ =	swait.ge [sflag:s31], $0x2000;
	s3 =	sadd.s32 $0x1, s3  }
0x8d: {  	[sflag:s31] =	ssyncset.done $0x0;
	p0 =	sne.s32 s3, $0x4  }
.Ltmp4:
0x8e: {  	s12 =	sadd.s32 s11, s19;
	[sflag:s31] =	ssyncadd.s32 $0xFFFFE000;
	(pc) =	sbr.rel @!p0 .LBB2_11-.Ltmp4, $4  }
0x8f: {  	[hbm4b:s12+s4] =	stream.linear.scatter [tilespmem:s29], [sflag:$0x3], $0x2000, $0x38;
	[tilespmem:$0x12080] =	vst v63  }
0x90: {  	_ =	swait.ge [sflag:s20], $0x2000  }
0x91: {  	[sflag:s20] =	ssyncset.done $0x0  }
0x92: {  	[sflag:s20] =	ssyncadd.s32 $0xFFFFE000  }
.LBB2_4:
0x93: {  	s12 =	sshll.u32 s3, $0xE  }
0x94: {  	[tilespmem:s26], [sflag:$0x1] =	stream.indirect.gather [hbm4b:s9+s21], $0x1, s25, s21, $0xb8;
	[tilespmem:$0x12080] =	vst v63  }
0x95: {  	s13 =	sor.u32 s12, s10  }
0x96: {  	s13 =	sshrl.u32 s13, $0x3  }
0x97: {  	s19 =	sor.u32 $0x400, s13  }
0x98: {  	s14 =	sadd.s32 s6, s19  }
0x99: {  	[tilespmem:s5], [sflag:$0x3] =	stream.linear.gather [hbm4b:s14+s5], $0x2000, $0x38;
	[tilespmem:$0x12080] =	vst v63  }
0x9a: {  	_ =	swait.ge [sflag:s20], $0x2000  }
0x9b: {  	[sflag:s20] =	ssyncset.done $0x0  }
0x9c: {  	s15 =	sadd.s32 s7, s19;
	[sflag:s20] =	ssyncadd.s32 $0xFFFFE000  }
0x9d: {  	[tilespmem:s21], [sflag:$0x3] =	stream.linear.gather [hbm4b:s15+s5], $0x2000, $0x38;
	[tilespmem:$0x12080] =	vst v63  }
0x9e: {  	_ =	swait.ge [sflag:s20], $0x2000  }
0x9f: {  	[sflag:s20] =	ssyncset.done $0x0  }
0xa0: {  	s16 =	sadd.s32 s8, s19;
	[sflag:s20] =	ssyncadd.s32 $0xFFFFE000  }
0xa1: {  	[tilespmem:s22], [sflag:$0x3] =	stream.linear.gather [hbm4b:s16+s5], $0x2000, $0x38;
	[tilespmem:$0x12080] =	vst v63  }
0xa2: {  	_ =	swait.ge [sflag:s20], $0x2000  }
0xa3: {  	[sflag:s20] =	ssyncset.done $0x0  }
0xa4: {  	s15 =	sadd.s32 s1, s19;
	[sflag:s20] =	ssyncadd.s32 $0xFFFFE000  }
0xa5: {  	[tilespmem:s23], [sflag:$0x3] =	stream.linear.gather [hbm4b:s15+s5], $0x2000, $0x38;
	[tilespmem:$0x12080] =	vst v63  }
0xa6: {  	_ =	swait.ge [sflag:s20], $0x2000  }
0xa7: {  	[sflag:s20] =	ssyncset.done $0x0  }
0xa8: {  	s16 =	sadd.s32 s2, s19;
	[sflag:s20] =	ssyncadd.s32 $0xFFFFE000  }
0xa9: {  	[tilespmem:s24], [sflag:$0x3] =	stream.linear.gather [hbm4b:s16+s5], $0x2000, $0x38;
	[tilespmem:$0x12080] =	vst v63  }
0xaa: {  	_ =	swait.ge [sflag:s20], $0x2000  }
0xab: {  	[sflag:s20] =	ssyncset.done $0x0  }
0xac: {  	s14 =	simm.s32 $0x0;
	[sflag:s20] =	ssyncadd.s32 $0xFFFFE000  }
0xad: {  	v10 =	vld [tilespmem:s14+$0x4000]  }
0xae: {  	v11 =	vld [tilespmem:s14+$0x2000]  }
0xaf: {  	v12 =	vld [tilespmem:s14+$0x0]  }
0xb0: {  	v13 =	vld [tilespmem:s14+$0x8000];
	_ =	sdelay $0x3  }
0xb1: {  	v11 =	vmul.f32 v11, v0  }
0xb2: {  	v10 =	vmul.f32 v10, v0;
	v12 =	vmul.f32 v12, v0;
	vm0 =	vlt.f32 v8, v13  }
0xb3: {  	vm1 =	vlt.f32 v9, v13;
	vm2 =	vlt.f32 v2, v13;
	vm3 =	vlt.f32 v3, v13  }
0xb4: {  	v14 =	vsel vm2, $0x1, v1;
	v15 =	vsel vm3, $0x1, v1;
	vm2 =	vlt.f32 v4, v13  }
0xb5: {  	vm4 =	vlt.f32 v7, v13;
	v14 =	vadd.s32 v15, v14;
	v15 =	vsel vm2, $0x1, v1  }
0xb6: {  	vm2 =	vlt.f32 v5, v13;
	v10 =	vadd.f32 $5.000000000e-01, v10;
	v11 =	vadd.f32 $5.000000000e-01, v11  }
0xb7: {  	v14 =	vadd.s32 v15, v14;
	v15 =	vsel vm2, $0x1, v1;
	vm2 =	vlt.f32 v6, v13  }
0xb8: {  	v12 =	vadd.f32 $5.000000000e-01, v12;
	v14 =	vadd.s32 v15, v14;
	v15 =	vsel vm2, $0x1, v1  }
0xb9: {  	v10 =	vmul.f32 $1.280000000e+02, v10;
	v14 =	vadd.s32 v15, v14;
	v15 =	vsel vm4, $0x1, v1  }
0xba: {  	v11 =	vmul.f32 $1.280000000e+02, v11;
	v14 =	vadd.s32 v15, v14;
	v15 =	vsel vm0, $0x1, v1  }
0xbb: {  	v16 =	vsel vm1, $0x1, v1;
	v12 =	vmul.f32 $1.280000000e+02, v12;
	v14 =	vadd.s32 v15, v14  }
0xbc: {  	v10 =	vtrunc.f32 v10;
	v11 =	vtrunc.f32 v11;
	v14 =	vadd.s32 v16, v14  }
0xbd: {  	v12 =	vtrunc.f32 v12;
	v18 =	vcvt.f32.s32 v11;
	vm0 =	veq.s32 v14, $0x6  }
0xbe: {  	v15 =	vsel vm0, v7, v8;
	v16 =	vsel vm0, v8, v9;
	vm0 =	veq.s32 v14, $0x5  }
0xbf: {  	v15 =	vsel vm0, v6, v15;
	v16 =	vsel vm0, v7, v16;
	vm0 =	veq.s32 v14, $0x4  }
0xc0: {  	v15 =	vsel vm0, v5, v15;
	v16 =	vsel vm0, v6, v16;
	vm0 =	veq.s32 v14, $0x3  }
0xc1: {  	v15 =	vsel vm0, v4, v15;
	v16 =	vsel vm0, v5, v16;
	vm0 =	veq.s32 v14, $0x2  }
0xc2: {  	v17 =	vld [tilespmem:s14+$0x6000];
	v15 =	vsel vm0, v3, v15;
	v16 =	vsel vm0, v4, v16;
	vm0 =	vlt.u32 v14, $0x2  }
0xc3: {  	v11 =	vcvt.f32.s32 v10;
	v15 =	vsel vm0, v2, v15;
	v16 =	vsel vm0, v3, v16  }
0xc4: {  	v10 =	vcvt.f32.s32 v12;
	v15 =	vsub.f32 v13, v15;
	v16 =	vsub.f32 v16, v13;
	_ =	sdelay $0x1  }
0xc5: {  	s15 =	simm.s32 $0x10;
	vm2 =	vgt.s32 v10, $0x0;
	v15 =	vand.u32 $0x7FFFFFFF, v15;
	v16 =	vand.u32 $0x7FFFFFFF, v16  }
0xc6: {  	v12 =	vld [tilespmem:s15+$0x4000];
	v13 =	vshll.u32 v17, $0x18;
	v17 =	vmax.u32 v14, $0x1;
	vm1 =	vle.f32 v15, v16  }
0xc7: {  	v19 =	vnsel vm2, $0x0, v10;
	v10 =	vld [tilespmem:s15+$0x8000];
	v16 =	vmin.u32 v17, $0x7;
	v17 =	vsel vm1, $0xFFFFFFFF, v1  }
0xc8: {  	vm0 =	vgt.s32 v11, $0x0;
	v14 =	vld [tilespmem:s15+$0x2000];
	vm1 =	vgt.s32 v18, $0x0;
	v20 =	vadd.s32 v17, v16  }
0xc9: {  	s16 =	simm.s32 $0x80;
	v15 =	vld [tilespmem:s15+$0x0];
	v16 =	vmin.u32 v19, $0x7F;
	v17 =	vnsel vm1, $0x0, v18;
	v18 =	vshll.u32 v20, $0x15  }
.LBB2_5:
0xca: {  	p0 =	sne.s32 s16, $0x7FC0;
	v17 =	vmin.u32 v17, $0x7F;
	v13 =	vadd.s32 v13, v18;
	v16 =	vshll.u32 v16, $0xE  }
0xcb: {  	v11 =	vnsel vm0, $0x0, v11;
	v13 =	vor.u32 v16, v13;
	v16 =	vshll.u32 v17, $0x7  }
0xcc: {  	v11 =	vmin.u32 v11, $0x7F;
	v13 =	vor.u32 v16, v13  }
0xcd: {  	v12 =	vmul.f32 v12, v0;
	v14 =	vmul.f32 v14, v0;
	v11 =	vor.u32 v11, v13  }
0xce: {  	v13 =	vmul.f32 v15, v0;
	vm0 =	vlt.f32 v8, v10;
	vm1 =	vlt.f32 v9, v10;
	[tilespmem:s14+$0xC000] =	vst v11;
	s14 =	smov.u32 s15  }
0xcf: {  	vm2 =	vlt.f32 v2, v10;
	vm3 =	vlt.f32 v3, v10;
	vm4 =	vlt.f32 v7, v10  }
0xd0: {  	v11 =	vsel vm2, $0x1, v1;
	v15 =	vsel vm3, $0x1, v1;
	vm2 =	vlt.f32 v4, v10  }
0xd1: {  	v11 =	vadd.s32 v15, v11;
	v15 =	vsel vm2, $0x1, v1;
	vm2 =	vlt.f32 v5, v10  }
0xd2: {  	v11 =	vadd.s32 v15, v11;
	v15 =	vsel vm2, $0x1, v1;
	vm2 =	vlt.f32 v6, v10  }
0xd3: {  	v16 =	vsel vm1, $0x1, v1;
	v11 =	vadd.s32 v15, v11;
	v15 =	vsel vm2, $0x1, v1  }
0xd4: {  	v12 =	vadd.f32 $5.000000000e-01, v12;
	v11 =	vadd.s32 v15, v11;
	v15 =	vsel vm4, $0x1, v1  }
0xd5: {  	v14 =	vadd.f32 $5.000000000e-01, v14;
	v11 =	vadd.s32 v15, v11;
	v15 =	vsel vm0, $0x1, v1  }
0xd6: {  	v13 =	vadd.f32 $5.000000000e-01, v13;
	v12 =	vmul.f32 $1.280000000e+02, v12;
	v11 =	vadd.s32 v15, v11  }
0xd7: {  	v14 =	vmul.f32 $1.280000000e+02, v14;
	v15 =	vadd.s32 v16, v11  }
0xd8: {  	v12 =	vtrunc.f32 v12;
	v11 =	vmul.f32 $1.280000000e+02, v13;
	vm0 =	veq.s32 v15, $0x6  }
0xd9: {  	v13 =	vsel vm0, v7, v8;
	v16 =	vsel vm0, v8, v9;
	vm0 =	veq.s32 v15, $0x5  }
0xda: {  	v13 =	vsel vm0, v6, v13;
	v16 =	vsel vm0, v7, v16;
	vm0 =	veq.s32 v15, $0x4  }
0xdb: {  	v13 =	vsel vm0, v5, v13;
	v16 =	vsel vm0, v6, v16;
	vm0 =	veq.s32 v15, $0x3;
	v17 =	vld [tilespmem:s14+$0x6000]  }
0xdc: {  	v13 =	vsel vm0, v4, v13;
	v16 =	vsel vm0, v5, v16;
	vm0 =	veq.s32 v15, $0x2  }
0xdd: {  	v13 =	vsel vm0, v3, v13;
	v16 =	vsel vm0, v4, v16;
	vm0 =	vlt.u32 v15, $0x2  }
0xde: {  	v14 =	vtrunc.f32 v14;
	v13 =	vsel vm0, v2, v13;
	v16 =	vsel vm0, v3, v16  }
0xdf: {  	v18 =	vtrunc.f32 v11;
	v19 =	vsub.f32 v10, v13;
	v10 =	vsub.f32 v16, v10  }
0xe0: {  	v20 =	vcvt.f32.s32 v14;
	v11 =	vcvt.f32.s32 v12;
	v13 =	vshll.u32 v17, $0x18  }
.Ltmp5:
0xe1: {  	s15 =	sshra.s32 s16, $0x2;
	v16 =	vcvt.f32.s32 v18;
	v14 =	vand.u32 $0x7FFFFFFF, v19;
	v10 =	vand.u32 $0x7FFFFFFF, v10;
	(pc) =	sbr.rel @p0 .LBB2_5-.Ltmp5, $4  }
0xe2: {  	v15 =	vmax.u32 v15, $0x1;
	vm0 =	vgt.s32 v11, $0x0;
	vm1 =	vle.f32 v14, v10;
	v12 =	vld [tilespmem:s15+$0x4000]  }
0xe3: {  	vm2 =	vgt.s32 v16, $0x0;
	v10 =	vmin.u32 v15, $0x7;
	v17 =	vsel vm1, $0xFFFFFFFF, v1;
	v14 =	vld [tilespmem:s15+$0x2000]  }
0xe4: {  	v16 =	vnsel vm2, $0x0, v16;
	vm1 =	vgt.s32 v20, $0x0;
	v18 =	vadd.s32 v17, v10;
	v15 =	vld [tilespmem:s15+$0x0]  }
0xe5: {  	s16 =	sadd.s32 $0x40, s16;
	v16 =	vmin.u32 v16, $0x7F;
	v17 =	vnsel vm1, $0x0, v20;
	v18 =	vshll.u32 v18, $0x15;
	v10 =	vld [tilespmem:s15+$0x8000]  }
0xe6: {  	v17 =	vmin.u32 v17, $0x7F  }
0xe7: {  	v13 =	vadd.s32 v13, v18;
	v16 =	vshll.u32 v16, $0xE;
	v11 =	vnsel vm0, $0x0, v11  }
0xe8: {  	v13 =	vor.u32 v16, v13;
	v47 =	vshll.u32 v17, $0x7;
	v12 =	vmul.f32 v12, v0  }
0xe9: {  	v11 =	vmin.u32 v11, $0x7F;
	v13 =	vor.u32 v47, v13;
	v14 =	vmul.f32 v14, v0  }
0xea: {  	v15 =	vmul.f32 v15, v0;
	v12 =	vadd.f32 $5.000000000e-01, v12;
	vm12 =	vlt.f32 v2, v10  }
0xeb: {  	vm1 =	vlt.f32 v3, v10;
	vm13 =	vlt.f32 v4, v10;
	vm14 =	vlt.f32 v5, v10  }
0xec: {  	vm15 =	vlt.f32 v6, v10;
	v48 =	vsel vm12, $0x1, v1;
	v49 =	vsel vm1, $0x1, v1  }
0xed: {  	vm4 =	vlt.f32 v8, v10;
	v50 =	vsel vm13, $0x1, v1;
	v16 =	vadd.s32 v49, v48  }
0xee: {  	vm5 =	vlt.f32 v9, v10;
	v51 =	vsel vm14, $0x1, v1;
	v16 =	vadd.s32 v50, v16  }
0xef: {  	vm2 =	vlt.f32 v7, v10;
	v52 =	vsel vm15, $0x1, v1;
	v16 =	vadd.s32 v51, v16  }
0xf0: {  	v14 =	vadd.f32 $5.000000000e-01, v14;
	v54 =	vsel vm2, $0x1, v1;
	v16 =	vadd.s32 v52, v16  }
0xf1: {  	v53 =	vsel vm5, $0x1, v1;
	v55 =	vsel vm4, $0x1, v1;
	v16 =	vadd.s32 v54, v16  }
0xf2: {  	v15 =	vadd.f32 $5.000000000e-01, v15;
	v12 =	vmul.f32 $1.280000000e+02, v12;
	v16 =	vadd.s32 v55, v16  }
0xf3: {  	v11 =	vor.u32 v11, v13;
	v56 =	vmul.f32 $1.280000000e+02, v14;
	v57 =	vadd.s32 v53, v16  }
0xf4: {  	v15 =	vmul.f32 $1.280000000e+02, v15;
	v12 =	vtrunc.f32 v12;
	vm6 =	veq.s32 v57, $0x6  }
0xf5: {  	vm7 =	veq.s32 v57, $0x5;
	v58 =	vsel vm6, v7, v8;
	v59 =	vsel vm6, v8, v9  }
0xf6: {  	[tilespmem:s14+$0xC000] =	vst v11;
	vm8 =	veq.s32 v57, $0x4;
	v11 =	vsel vm7, v6, v58;
	v60 =	vsel vm7, v7, v59  }
0xf7: {  	v61 =	vld [tilespmem:s15+$0x6000];
	vm9 =	veq.s32 v57, $0x3;
	v11 =	vsel vm8, v5, v11;
	v16 =	vsel vm8, v6, v60  }
0xf8: {  	vm10 =	veq.s32 v57, $0x2;
	v11 =	vsel vm9, v4, v11;
	v16 =	vsel vm9, v5, v16  }
0xf9: {  	vm11 =	vlt.u32 v57, $0x2;
	v11 =	vsel vm10, v3, v11;
	v16 =	vsel vm10, v4, v16  }
0xfa: {  	v13 =	vtrunc.f32 v56;
	v11 =	vsel vm11, v2, v11;
	v16 =	vsel vm11, v3, v16  }
0xfb: {  	v12 =	vcvt.f32.s32 v12;
	v11 =	vsub.f32 v10, v11;
	v10 =	vsub.f32 v16, v10  }
0xfc: {  	v15 =	vtrunc.f32 v15;
	v13 =	vcvt.f32.s32 v13;
	v62 =	vshll.u32 v61, $0x18  }
0xfd: {  	v15 =	vcvt.f32.s32 v15;
	v11 =	vand.u32 $0x7FFFFFFF, v11;
	v10 =	vand.u32 $0x7FFFFFFF, v10  }
0xfe: {  	vm12 =	vgt.s32 v12, $0x0;
	v14 =	vmax.u32 v57, $0x1;
	vm13 =	vle.f32 v11, v10  }
0xff: {  	vm14 =	vgt.s32 v15, $0x0;
	v10 =	vmin.u32 v14, $0x7;
	v11 =	vsel vm13, $0xFFFFFFFF, v1  }
0x100: {  	vm15 =	vgt.s32 v13, $0x0;
	v63 =	vnsel vm14, $0x0, v15;
	v10 =	vadd.s32 v11, v10  }
0x101: {  	v13 =	vnsel vm15, $0x0, v13;
	v11 =	vmin.u32 v63, $0x7F;
	v10 =	vshll.u32 v10, $0x15  }
0x102: {  	v13 =	vmin.u32 v13, $0x7F;
	v11 =	vshll.u32 v11, $0xE;
	v10 =	vadd.s32 v62, v10  }
0x103: {  	v12 =	vnsel vm12, $0x0, v12;
	v10 =	vor.u32 v11, v10;
	v11 =	vshll.u32 v13, $0x7  }
0x104: {  	v12 =	vmin.u32 v12, $0x7F;
	v10 =	vor.u32 v11, v10  }
0x105: {  	v10 =	vor.u32 v12, v10  }
0x106: {  	[tilespmem:s15+$0xC000] =	vst v10  }
0x107: {  	[tilespmem:s29], [sflag:$0x2] =	stream.indirect.gather [hbm4b:s9+s21], $0x1, s28, s21, $0xb8;
	[tilespmem:$0x12080] =	vst v63  }
0x108: {  	_ =	swait.ge [sflag:s30], $0x2000  }
0x109: {  	p0 =	seq.s32 s3, $0x3;
	[sflag:s30] =	ssyncset.done $0x0  }
.Ltmp6:
0x10a: {  	s13 =	sadd.s32 s11, s13;
	[sflag:s30] =	ssyncadd.s32 $0xFFFFE000;
	(pc) =	sbr.rel @p0 .LBB2_10-.Ltmp6, $4  }
0x10b: {  	[hbm4b:s13+s4] =	stream.linear.scatter [tilespmem:s26], [sflag:$0x3], $0x2000, $0x38;
	[tilespmem:$0x12080] =	vst v63  }
0x10c: {  	_ =	swait.ge [sflag:s20], $0x2000  }
0x10d: {  	[sflag:s20] =	ssyncset.done $0x0  }
0x10e: {  	[sflag:s20] =	ssyncadd.s32 $0xFFFFE000  }
0x10f: {  	s12 =	sadd.s32 s12, s17  }
0x110: {  	s12 =	sshrl.u32 s12, $0x3  }
0x111: {  	s14 =	simm.s32 $0x0;
	s13 =	sadd.s32 s6, s12  }
0x112: {  	[tilespmem:s14], [sflag:$0x3] =	stream.linear.gather [hbm4b:s13+s14], $0x2000, $0x38;
	[tilespmem:$0x12080] =	vst v63  }
0x113: {  	_ =	swait.ge [sflag:s20], $0x2000  }
0x114: {  	[sflag:s20] =	ssyncset.done $0x0  }
0x115: {  	s16 =	sadd.s32 s7, s12;
	[sflag:s20] =	ssyncadd.s32 $0xFFFFE000  }
0x116: {  	[tilespmem:s21], [sflag:$0x3] =	stream.linear.gather [hbm4b:s16+s14], $0x2000, $0x38;
	[tilespmem:$0x12080] =	vst v63  }
0x117: {  	_ =	swait.ge [sflag:s20], $0x2000  }
0x118: {  	[sflag:s20] =	ssyncset.done $0x0  }
0x119: {  	s15 =	sadd.s32 s8, s12;
	[sflag:s20] =	ssyncadd.s32 $0xFFFFE000  }
0x11a: {  	[tilespmem:s22], [sflag:$0x3] =	stream.linear.gather [hbm4b:s15+s14], $0x2000, $0x38;
	[tilespmem:$0x12080] =	vst v63  }
0x11b: {  	_ =	swait.ge [sflag:s20], $0x2000  }
0x11c: {  	[sflag:s20] =	ssyncset.done $0x0  }
0x11d: {  	s16 =	sadd.s32 s1, s12;
	[sflag:s20] =	ssyncadd.s32 $0xFFFFE000  }
0x11e: {  	[tilespmem:s23], [sflag:$0x3] =	stream.linear.gather [hbm4b:s16+s14], $0x2000, $0x38;
	[tilespmem:$0x12080] =	vst v63  }
0x11f: {  	_ =	swait.ge [sflag:s20], $0x2000  }
0x120: {  	[sflag:s20] =	ssyncset.done $0x0  }
0x121: {  	s12 =	sadd.s32 s2, s12;
	[sflag:s20] =	ssyncadd.s32 $0xFFFFE000  }
0x122: {  	[tilespmem:s24], [sflag:$0x3] =	stream.linear.gather [hbm4b:s12+s14], $0x2000, $0x38;
	[tilespmem:$0x12080] =	vst v63  }
0x123: {  	_ =	swait.ge [sflag:s20], $0x2000  }
0x124: {  	[sflag:s20] =	ssyncset.done $0x0  }
0x125: {  	s12 =	simm.s32 $0x0;
	[sflag:s20] =	ssyncadd.s32 $0xFFFFE000  }
0x126: {  	v10 =	vld [tilespmem:s12+$0x4000]  }
0x127: {  	v11 =	vld [tilespmem:s12+$0x2000]  }
0x128: {  	v12 =	vld [tilespmem:s12+$0x0]  }
0x129: {  	v13 =	vld [tilespmem:s12+$0x8000];
	_ =	sdelay $0x3  }
0x12a: {  	v11 =	vmul.f32 v11, v0  }
0x12b: {  	v10 =	vmul.f32 v10, v0;
	v12 =	vmul.f32 v12, v0;
	vm0 =	vlt.f32 v8, v13  }
0x12c: {  	vm1 =	vlt.f32 v9, v13;
	vm2 =	vlt.f32 v2, v13;
	vm3 =	vlt.f32 v3, v13  }
0x12d: {  	v14 =	vsel vm2, $0x1, v1;
	v15 =	vsel vm3, $0x1, v1;
	vm2 =	vlt.f32 v4, v13  }
0x12e: {  	vm4 =	vlt.f32 v7, v13;
	v14 =	vadd.s32 v15, v14;
	v15 =	vsel vm2, $0x1, v1  }
0x12f: {  	vm2 =	vlt.f32 v5, v13;
	v10 =	vadd.f32 $5.000000000e-01, v10;
	v11 =	vadd.f32 $5.000000000e-01, v11  }
0x130: {  	v14 =	vadd.s32 v15, v14;
	v15 =	vsel vm2, $0x1, v1;
	vm2 =	vlt.f32 v6, v13  }
0x131: {  	v12 =	vadd.f32 $5.000000000e-01, v12;
	v14 =	vadd.s32 v15, v14;
	v15 =	vsel vm2, $0x1, v1  }
0x132: {  	v10 =	vmul.f32 $1.280000000e+02, v10;
	v14 =	vadd.s32 v15, v14;
	v15 =	vsel vm4, $0x1, v1  }
0x133: {  	v11 =	vmul.f32 $1.280000000e+02, v11;
	v14 =	vadd.s32 v15, v14;
	v15 =	vsel vm0, $0x1, v1  }
0x134: {  	v16 =	vsel vm1, $0x1, v1;
	v12 =	vmul.f32 $1.280000000e+02, v12;
	v14 =	vadd.s32 v15, v14  }
0x135: {  	v10 =	vtrunc.f32 v10;
	v11 =	vtrunc.f32 v11;
	v14 =	vadd.s32 v16, v14  }
0x136: {  	v12 =	vtrunc.f32 v12;
	v18 =	vcvt.f32.s32 v11;
	vm0 =	veq.s32 v14, $0x6  }
0x137: {  	v15 =	vsel vm0, v7, v8;
	v16 =	vsel vm0, v8, v9;
	vm0 =	veq.s32 v14, $0x5  }
0x138: {  	v15 =	vsel vm0, v6, v15;
	v16 =	vsel vm0, v7, v16;
	vm0 =	veq.s32 v14, $0x4  }
0x139: {  	v15 =	vsel vm0, v5, v15;
	v16 =	vsel vm0, v6, v16;
	vm0 =	veq.s32 v14, $0x3  }
0x13a: {  	v15 =	vsel vm0, v4, v15;
	v16 =	vsel vm0, v5, v16;
	vm0 =	veq.s32 v14, $0x2  }
0x13b: {  	v17 =	vld [tilespmem:s12+$0x6000];
	v15 =	vsel vm0, v3, v15;
	v16 =	vsel vm0, v4, v16;
	vm0 =	vlt.u32 v14, $0x2  }
0x13c: {  	v11 =	vcvt.f32.s32 v10;
	v15 =	vsel vm0, v2, v15;
	v16 =	vsel vm0, v3, v16  }
0x13d: {  	v10 =	vcvt.f32.s32 v12;
	v15 =	vsub.f32 v13, v15;
	v16 =	vsub.f32 v16, v13;
	_ =	sdelay $0x1  }
0x13e: {  	s13 =	simm.s32 $0x10;
	vm2 =	vgt.s32 v10, $0x0;
	v15 =	vand.u32 $0x7FFFFFFF, v15;
	v16 =	vand.u32 $0x7FFFFFFF, v16  }
0x13f: {  	v12 =	vld [tilespmem:s13+$0x4000];
	v13 =	vshll.u32 v17, $0x18;
	v17 =	vmax.u32 v14, $0x1;
	vm1 =	vle.f32 v15, v16  }
0x140: {  	v19 =	vnsel vm2, $0x0, v10;
	v10 =	vld [tilespmem:s13+$0x8000];
	v16 =	vmin.u32 v17, $0x7;
	v17 =	vsel vm1, $0xFFFFFFFF, v1  }
0x141: {  	vm0 =	vgt.s32 v11, $0x0;
	v14 =	vld [tilespmem:s13+$0x2000];
	vm1 =	vgt.s32 v18, $0x0;
	v20 =	vadd.s32 v17, v16  }
0x142: {  	s14 =	simm.s32 $0x80;
	v15 =	vld [tilespmem:s13+$0x0];
	v16 =	vmin.u32 v19, $0x7F;
	v17 =	vnsel vm1, $0x0, v18;
	v18 =	vshll.u32 v20, $0x15  }
.LBB2_8:
0x143: {  	p0 =	sne.s32 s14, $0x7FC0;
	v17 =	vmin.u32 v17, $0x7F;
	v13 =	vadd.s32 v13, v18;
	v16 =	vshll.u32 v16, $0xE  }
0x144: {  	v11 =	vnsel vm0, $0x0, v11;
	v13 =	vor.u32 v16, v13;
	v16 =	vshll.u32 v17, $0x7  }
0x145: {  	v11 =	vmin.u32 v11, $0x7F;
	v13 =	vor.u32 v16, v13  }
0x146: {  	v12 =	vmul.f32 v12, v0;
	v14 =	vmul.f32 v14, v0;
	v11 =	vor.u32 v11, v13  }
0x147: {  	v13 =	vmul.f32 v15, v0;
	vm0 =	vlt.f32 v8, v10;
	vm1 =	vlt.f32 v9, v10;
	[tilespmem:s12+$0xA000] =	vst v11;
	s12 =	smov.u32 s13  }
0x148: {  	vm2 =	vlt.f32 v2, v10;
	vm3 =	vlt.f32 v3, v10;
	vm4 =	vlt.f32 v7, v10  }
0x149: {  	v11 =	vsel vm2, $0x1, v1;
	v15 =	vsel vm3, $0x1, v1;
	vm2 =	vlt.f32 v4, v10  }
0x14a: {  	v11 =	vadd.s32 v15, v11;
	v15 =	vsel vm2, $0x1, v1;
	vm2 =	vlt.f32 v5, v10  }
0x14b: {  	v11 =	vadd.s32 v15, v11;
	v15 =	vsel vm2, $0x1, v1;
	vm2 =	vlt.f32 v6, v10  }
0x14c: {  	v16 =	vsel vm1, $0x1, v1;
	v11 =	vadd.s32 v15, v11;
	v15 =	vsel vm2, $0x1, v1  }
0x14d: {  	v12 =	vadd.f32 $5.000000000e-01, v12;
	v11 =	vadd.s32 v15, v11;
	v15 =	vsel vm4, $0x1, v1  }
0x14e: {  	v14 =	vadd.f32 $5.000000000e-01, v14;
	v11 =	vadd.s32 v15, v11;
	v15 =	vsel vm0, $0x1, v1  }
0x14f: {  	v13 =	vadd.f32 $5.000000000e-01, v13;
	v12 =	vmul.f32 $1.280000000e+02, v12;
	v11 =	vadd.s32 v15, v11  }
0x150: {  	v14 =	vmul.f32 $1.280000000e+02, v14;
	v15 =	vadd.s32 v16, v11  }
0x151: {  	v12 =	vtrunc.f32 v12;
	v11 =	vmul.f32 $1.280000000e+02, v13;
	vm0 =	veq.s32 v15, $0x6  }
0x152: {  	v13 =	vsel vm0, v7, v8;
	v16 =	vsel vm0, v8, v9;
	vm0 =	veq.s32 v15, $0x5  }
0x153: {  	v13 =	vsel vm0, v6, v13;
	v16 =	vsel vm0, v7, v16;
	vm0 =	veq.s32 v15, $0x4  }
0x154: {  	v13 =	vsel vm0, v5, v13;
	v16 =	vsel vm0, v6, v16;
	vm0 =	veq.s32 v15, $0x3;
	v17 =	vld [tilespmem:s12+$0x6000]  }
0x155: {  	v13 =	vsel vm0, v4, v13;
	v16 =	vsel vm0, v5, v16;
	vm0 =	veq.s32 v15, $0x2  }
0x156: {  	v13 =	vsel vm0, v3, v13;
	v16 =	vsel vm0, v4, v16;
	vm0 =	vlt.u32 v15, $0x2  }
0x157: {  	v14 =	vtrunc.f32 v14;
	v13 =	vsel vm0, v2, v13;
	v16 =	vsel vm0, v3, v16  }
0x158: {  	v18 =	vtrunc.f32 v11;
	v19 =	vsub.f32 v10, v13;
	v10 =	vsub.f32 v16, v10  }
0x159: {  	v20 =	vcvt.f32.s32 v14;
	v11 =	vcvt.f32.s32 v12;
	v13 =	vshll.u32 v17, $0x18  }
.Ltmp7:
0x15a: {  	s13 =	sshra.s32 s14, $0x2;
	v16 =	vcvt.f32.s32 v18;
	v14 =	vand.u32 $0x7FFFFFFF, v19;
	v10 =	vand.u32 $0x7FFFFFFF, v10;
	(pc) =	sbr.rel @p0 .LBB2_8-.Ltmp7, $4  }
0x15b: {  	v15 =	vmax.u32 v15, $0x1;
	vm0 =	vgt.s32 v11, $0x0;
	vm1 =	vle.f32 v14, v10;
	v12 =	vld [tilespmem:s13+$0x4000]  }
0x15c: {  	vm2 =	vgt.s32 v16, $0x0;
	v10 =	vmin.u32 v15, $0x7;
	v17 =	vsel vm1, $0xFFFFFFFF, v1;
	v14 =	vld [tilespmem:s13+$0x2000]  }
0x15d: {  	v16 =	vnsel vm2, $0x0, v16;
	vm1 =	vgt.s32 v20, $0x0;
	v18 =	vadd.s32 v17, v10;
	v15 =	vld [tilespmem:s13+$0x0]  }
0x15e: {  	s14 =	sadd.s32 $0x40, s14;
	v16 =	vmin.u32 v16, $0x7F;
	v17 =	vnsel vm1, $0x0, v20;
	v18 =	vshll.u32 v18, $0x15;
	v10 =	vld [tilespmem:s13+$0x8000]  }
0x15f: {  	v17 =	vmin.u32 v17, $0x7F  }
0x160: {  	v13 =	vadd.s32 v13, v18;
	v16 =	vshll.u32 v16, $0xE;
	v11 =	vnsel vm0, $0x0, v11  }
0x161: {  	v13 =	vor.u32 v16, v13;
	v47 =	vshll.u32 v17, $0x7;
	v12 =	vmul.f32 v12, v0  }
0x162: {  	v11 =	vmin.u32 v11, $0x7F;
	v13 =	vor.u32 v47, v13;
	v14 =	vmul.f32 v14, v0  }
0x163: {  	v15 =	vmul.f32 v15, v0;
	v12 =	vadd.f32 $5.000000000e-01, v12;
	vm12 =	vlt.f32 v2, v10  }
0x164: {  	vm1 =	vlt.f32 v3, v10;
	vm13 =	vlt.f32 v4, v10;
	vm14 =	vlt.f32 v5, v10  }
0x165: {  	vm15 =	vlt.f32 v6, v10;
	v48 =	vsel vm12, $0x1, v1;
	v49 =	vsel vm1, $0x1, v1  }
0x166: {  	vm4 =	vlt.f32 v8, v10;
	v50 =	vsel vm13, $0x1, v1;
	v16 =	vadd.s32 v49, v48  }
0x167: {  	vm5 =	vlt.f32 v9, v10;
	v51 =	vsel vm14, $0x1, v1;
	v16 =	vadd.s32 v50, v16  }
0x168: {  	vm2 =	vlt.f32 v7, v10;
	v52 =	vsel vm15, $0x1, v1;
	v16 =	vadd.s32 v51, v16  }
0x169: {  	v14 =	vadd.f32 $5.000000000e-01, v14;
	v54 =	vsel vm2, $0x1, v1;
	v16 =	vadd.s32 v52, v16  }
0x16a: {  	v53 =	vsel vm5, $0x1, v1;
	v55 =	vsel vm4, $0x1, v1;
	v16 =	vadd.s32 v54, v16  }
0x16b: {  	v15 =	vadd.f32 $5.000000000e-01, v15;
	v12 =	vmul.f32 $1.280000000e+02, v12;
	v16 =	vadd.s32 v55, v16  }
0x16c: {  	v11 =	vor.u32 v11, v13;
	v56 =	vmul.f32 $1.280000000e+02, v14;
	v57 =	vadd.s32 v53, v16  }
0x16d: {  	v15 =	vmul.f32 $1.280000000e+02, v15;
	v12 =	vtrunc.f32 v12;
	vm6 =	veq.s32 v57, $0x6  }
0x16e: {  	vm7 =	veq.s32 v57, $0x5;
	v58 =	vsel vm6, v7, v8;
	v59 =	vsel vm6, v8, v9  }
0x16f: {  	[tilespmem:s12+$0xA000] =	vst v11;
	vm8 =	veq.s32 v57, $0x4;
	v11 =	vsel vm7, v6, v58;
	v60 =	vsel vm7, v7, v59  }
0x170: {  	v61 =	vld [tilespmem:s13+$0x6000];
	vm9 =	veq.s32 v57, $0x3;
	v11 =	vsel vm8, v5, v11;
	v16 =	vsel vm8, v6, v60  }
0x171: {  	vm10 =	veq.s32 v57, $0x2;
	v11 =	vsel vm9, v4, v11;
	v16 =	vsel vm9, v5, v16  }
0x172: {  	vm11 =	vlt.u32 v57, $0x2;
	v11 =	vsel vm10, v3, v11;
	v16 =	vsel vm10, v4, v16  }
0x173: {  	v13 =	vtrunc.f32 v56;
	v11 =	vsel vm11, v2, v11;
	v16 =	vsel vm11, v3, v16  }
0x174: {  	v12 =	vcvt.f32.s32 v12;
	v11 =	vsub.f32 v10, v11;
	v10 =	vsub.f32 v16, v10  }
0x175: {  	v15 =	vtrunc.f32 v15;
	v13 =	vcvt.f32.s32 v13;
	v62 =	vshll.u32 v61, $0x18  }
0x176: {  	v15 =	vcvt.f32.s32 v15;
	v11 =	vand.u32 $0x7FFFFFFF, v11;
	v10 =	vand.u32 $0x7FFFFFFF, v10  }
0x177: {  	vm12 =	vgt.s32 v12, $0x0;
	v14 =	vmax.u32 v57, $0x1;
	vm13 =	vle.f32 v11, v10  }
0x178: {  	vm14 =	vgt.s32 v15, $0x0;
	v10 =	vmin.u32 v14, $0x7;
	v11 =	vsel vm13, $0xFFFFFFFF, v1  }
0x179: {  	vm15 =	vgt.s32 v13, $0x0;
	v63 =	vnsel vm14, $0x0, v15;
	v10 =	vadd.s32 v11, v10  }
0x17a: {  	v13 =	vnsel vm15, $0x0, v13;
	v11 =	vmin.u32 v63, $0x7F;
	v10 =	vshll.u32 v10, $0x15  }
.Ltmp8:
0x17b: {  	v13 =	vmin.u32 v13, $0x7F;
	v11 =	vshll.u32 v11, $0xE;
	v10 =	vadd.s32 v62, v10;
	(pc) =	sbr.rel .LBB2_10-.Ltmp8, $4  }
0x17c: {  	v12 =	vnsel vm12, $0x0, v12;
	v10 =	vor.u32 v11, v10;
	v11 =	vshll.u32 v13, $0x7  }
0x17d: {  	v12 =	vmin.u32 v12, $0x7F;
	v10 =	vor.u32 v11, v10  }
0x17e: {  	v10 =	vor.u32 v12, v10  }
0x17f: {  	[tilespmem:s13+$0xA000] =	vst v10  }
.LBB2_12:
0x180: {  	_ =	sfence.sel $0x180000  }
0x181: {  	[bflag:$0x0] =	sbarrier.arrive $0xFFFF  }
0x182: {  	_ =	strace $0x90000047  }
0x183: {  	s0 =	stileid.u32;
	[bflag:$0x2] =	sbarrier.arrive $0xFFFF  }
0x184: {  	p0 =	sne.s32 s0, $0x0;
	s0 =	rddreg [dreg:$0x4]  }
0x185: {  	s0 =	sadd.s32 @!p0 $0x100000, s0  }
0x186: {  	[sflag:s0] =	ssyncadd.tile.s32 @!p0 $0x1;
	_ =	shalt  }
.Lfunc_end2:
_tile_overlayer_lowered:
.L_overlay_start_2:
0x187: {  	(tag) =	ssettag $0x2  }
0x188: {  	s0 =	rddreg [dreg:$0x0];
	s2 =	stileid.u32  }
0x189: {  	s1 =	rddreg [dreg:$0x1];
	p0 =	sne.s32 s2, $0x0  }
0x18a: {  	s3 =	rddreg [dreg:$0x2];
	[bflag:$0x3] =	sbarrier.arrive $0xFFFF;
	s2 =	simm.s32 @!p0 $0x1C03  }
0x18b: {  	[timem:s3], [sflag:s2] =	dma.local @!p0 [hbm:s0], s1  }
0x18c: {  	s0 =	simm.s32 @!p0 $0x3  }
0x18d: {  	_ =	swait.ge @!p0 [sflag:s0], s1  }
0x18e: {  	s1 =	ssub.s32 @!p0 $0x0, s1;
	[sflag:s0] =	ssyncset.done @!p0 $0x0  }
0x18f: {  	[sflag:s0] =	ssyncadd.s32 @!p0 s1  }
0x190: {  	[bflag:$0x3] =	sbarrier.arrive $0xFFFF  }
0x191: {  	_ =	shalt  }

</sc_bundles>
